<compile_context>
chip_gen: v7x
topology: tpu7x:2x2x1
jax: 0.10.2.dev20260603
libtpu: 0.0.44.dev20260713+nightly
codegen_flags: <defaults>
</compile_context>

<pallas_src>
import functools

import jax
import jax.numpy as jnp
from jax import lax
from jax.experimental import pallas as pl
from jax.experimental.pallas import tpu as pltpu
from jax.experimental.pallas import tpu_sc as plsc


def kernel(class_labels, table):
    (B,) = class_labels.shape
    V, D = table.shape
    idx = class_labels if class_labels.dtype == jnp.int32 else class_labels.astype(jnp.int32)

    info = plsc.get_sparse_core_info()
    NC, NS = info.num_cores, info.num_subcores
    NW = NC * NS
    b_per_w = B // NW
    assert B % (8 * NW) == 0

    CB = 64
    C = b_per_w // CB
    assert b_per_w % CB == 0
    SCHUNK = 128
    n_full = V // SCHUNK
    rem = V - n_full * SCHUNK

    mesh = plsc.VectorSubcoreMesh(core_axis_name="c", subcore_axis_name="s")

    @functools.partial(
        pl.kernel,
        mesh=mesh,
        out_type=jax.ShapeDtypeStruct((B, D), jnp.float32),
        scratch_types=[
            pltpu.VMEM((b_per_w,), jnp.int32),
            pltpu.VMEM((b_per_w, D), jnp.float32),
            pltpu.VMEM_SHARED((V, D), jnp.float32),
            pltpu.SemaphoreType.DMA,
            pltpu.SemaphoreType.DMA,
            pltpu.SemaphoreType.DMA,
        ],
    )
    def emb(table_hbm, idx_hbm, out_hbm, idx_v, rows_v, table_sp, gsem, osem, isem):
        sid = lax.axis_index("s")
        wid = sid * NC + lax.axis_index("c")
        base = wid * b_per_w

        idx_cp = pltpu.async_copy(idx_hbm.at[pl.ds(base, b_per_w)], idx_v, isem)

        @pl.when(sid < n_full)
        def _():
            pltpu.sync_copy(
                table_hbm.at[pl.ds(sid * SCHUNK, SCHUNK)],
                table_sp.at[pl.ds(sid * SCHUNK, SCHUNK)],
            )

        if rem:
            @pl.when(sid == n_full)
            def _():
                pltpu.sync_copy(
                    table_hbm.at[pl.ds(n_full * SCHUNK, rem)],
                    table_sp.at[pl.ds(n_full * SCHUNK, rem)],
                )

        idx_cp.wait()
        plsc.subcore_barrier()

        gathers = [
            pltpu.async_copy(
                table_sp.at[idx_v.at[pl.ds(g * CB, CB)]],
                rows_v.at[pl.ds(g * CB, CB)],
                gsem,
            )
            for g in range(C)
        ]
        outs = [None] * C
        for g in range(C):
            gathers[g].wait()
            outs[g] = pltpu.async_copy(
                rows_v.at[pl.ds(g * CB, CB)],
                out_hbm.at[pl.ds(base + g * CB, CB)],
                osem,
            )
        for g in range(C):
            outs[g].wait()

    return emb(table, idx)

# --- scband reference (transcript-rebuilt; emitter-appended) ---
"""Pipeline reference for scband-class-embedding-1743756722376 (READ-ONLY COPY).

The authoritative reference and input builder live on the scoring server;
editing this copy changes nothing except your own understanding.
"""

import jax, jax.numpy as jnp
import numpy as np

NUM_CLASSES = 1000
DIM = 128
BATCH = 16384

def setup_inputs(seed: int = 0) -> dict:
    key = jax.random.key(seed)
    k1, k2 = jax.random.split(key)
    class_labels = jax.random.randint(k1, (BATCH,), 0, NUM_CLASSES, dtype=jnp.int64)
    # nn.Embedding default init: N(0, 1)
    table = jax.random.normal(k2, (NUM_CLASSES, DIM), dtype=jnp.float32)
    return {"class_labels": class_labels, "table": table}

def reference(class_labels, table):
    # Embedding lookup: (B,) int -> (B, dim)
    return jnp.take(table, class_labels, axis=0)

if __name__ == "__main__":
    import jax
    _d = setup_inputs()
    print(jax.jit(kernel)(*tuple(_d.values())))

</pallas_src>

<mosaic_0001>
#map = affine_map<(d0, d1) -> (0, 0)>
#map1 = affine_map<(d0, d1) -> (0)>
module attributes {stable_mosaic.version = 14 : i64} {
  func.func @emb(%arg0: i32, %arg1: i32, %arg2: memref<1000x128xf32, #tpu.memory_space<hbm>>, %arg3: memref<16384xi32, #tpu.memory_space<hbm>>, %arg4: memref<16384x128xf32, #tpu.memory_space<hbm>>, %arg5: memref<512xi32, #tpu.memory_space<vmem>>, %arg6: memref<512x128xf32, #tpu.memory_space<vmem>>, %arg7: memref<1000x128xf32, #tpu.memory_space<vmem_shared>>, %arg8: memref<!tpu.dma_semaphore, #tpu.memory_space<semaphore_mem>>, %arg9: memref<!tpu.dma_semaphore, #tpu.memory_space<semaphore_mem>>, %arg10: memref<!tpu.dma_semaphore, #tpu.memory_space<semaphore_mem>>) attributes {dimension_semantics = [#tpu.dimension_semantics<core_parallel>, #tpu.dimension_semantics<subcore_parallel>], iteration_bounds = array<i64: 2, 16>, scalar_prefetch = 0 : i64, scratch_operands = 6 : i64, tpu.core_type = #tpu.core_type<sc_vector_subcore>, window_params = [{transform_indices = #map}, {transform_indices = #map1}, {transform_indices = #map}]} {
    %mul3A = arith.constant 2 : i32
    %mul3A_0 = arith.muli %arg1, %mul3A : i32
    %add3A = arith.addi %mul3A_0, %arg0 : i32
    %mul3A_1 = arith.constant 512 : i32
    %mul3A_2 = arith.muli %add3A, %mul3A_1 : i32
    %dma_start3A = tpu.memref_slice %arg3[%mul3A_2] : memref<16384xi32, #tpu.memory_space<hbm>> -> memref<512xi32, #tpu.memory_space<hbm>>
    %dma_start3A_3 = tpu.memref_slice %arg3[%mul3A_2] : memref<16384xi32, #tpu.memory_space<hbm>> -> memref<512xi32, #tpu.memory_space<hbm>>
    tpu.enqueue_dma source(%dma_start3A_3 : memref<512xi32, #tpu.memory_space<hbm>>) target(%arg5 : memref<512xi32, #tpu.memory_space<vmem>>) target_semaphore(%arg10 : memref<!tpu.dma_semaphore, #tpu.memory_space<semaphore_mem>>)
    %lt3A = arith.constant 7 : i32
    %lt3A_4 = arith.cmpi slt, %arg1, %lt3A : i32
    %convert_element_type3A = arith.extui %lt3A_4 : i1 to i32
    %cond3A = arith.constant 0 : i32
    %cond3A_5 = arith.cmpi ne, %convert_element_type3A, %cond3A : i32
    scf.if %cond3A_5 {
      %mul3A_315 = arith.constant 128 : i32
      %mul3A_316 = arith.muli %arg1, %mul3A_315 : i32
      %mul3A_317 = arith.constant 128 : i32
      %mul3A_318 = arith.muli %arg1, %mul3A_317 : i32
      "tpu.region"() ({
        %run_scoped3A = tpu.sem_alloc : memref<!tpu.dma_semaphore, #tpu.memory_space<semaphore_mem>>
        %dma_start3A_319 = arith.constant 0 : i32
        %dma_start3A_320 = tpu.memref_slice %arg7[%mul3A_318, %dma_start3A_319] : memref<1000x128xf32, #tpu.memory_space<vmem_shared>> -> memref<128x128xf32, #tpu.memory_space<vmem_shared>>
        %dma_start3A_321 = arith.constant 0 : i32
        %dma_start3A_322 = tpu.memref_slice %arg2[%mul3A_316, %dma_start3A_321] : memref<1000x128xf32, #tpu.memory_space<hbm>> -> memref<128x128xf32, #tpu.memory_space<hbm>>
        tpu.enqueue_dma source(%dma_start3A_322 : memref<128x128xf32, #tpu.memory_space<hbm>>) target(%dma_start3A_320 : memref<128x128xf32, #tpu.memory_space<vmem_shared>>) target_semaphore(%run_scoped3A : memref<!tpu.dma_semaphore, #tpu.memory_space<semaphore_mem>>)
        %dma_wait3A_323 = arith.constant 0 : i32
        %dma_wait3A_324 = tpu.memref_slice %arg7[%mul3A_318, %dma_wait3A_323] : memref<1000x128xf32, #tpu.memory_space<vmem_shared>> -> memref<128x128xf32, #tpu.memory_space<vmem_shared>>
        %dma_wait3A_325 = arith.constant 0 : i32
        %dma_wait3A_326 = tpu.memref_slice %arg2[%mul3A_316, %dma_wait3A_325] : memref<1000x128xf32, #tpu.memory_space<hbm>> -> memref<128x128xf32, #tpu.memory_space<hbm>>
        tpu.wait_dma2 semaphore(%run_scoped3A : memref<!tpu.dma_semaphore, #tpu.memory_space<semaphore_mem>>) src(%dma_wait3A_326 : memref<128x128xf32, #tpu.memory_space<hbm>>) dst(%dma_wait3A_324 : memref<128x128xf32, #tpu.memory_space<vmem_shared>>)
        tpu.yield
      }) : () -> ()
    } else {
    }
    %eq3A = arith.constant 7 : i32
    %eq3A_6 = arith.cmpi eq, %arg1, %eq3A : i32
    %convert_element_type3A_7 = arith.extui %eq3A_6 : i1 to i32
    %cond3A_8 = arith.constant 0 : i32
    %cond3A_9 = arith.cmpi ne, %convert_element_type3A_7, %cond3A_8 : i32
    scf.if %cond3A_9 {
      "tpu.region"() ({
        %run_scoped3A = tpu.sem_alloc : memref<!tpu.dma_semaphore, #tpu.memory_space<semaphore_mem>>
        %dma_start3A_315 = arith.constant 896 : i32
        %dma_start3A_316 = arith.constant 0 : i32
        %dma_start3A_317 = tpu.memref_slice %arg7[%dma_start3A_315, %dma_start3A_316] : memref<1000x128xf32, #tpu.memory_space<vmem_shared>> -> memref<104x128xf32, #tpu.memory_space<vmem_shared>>
        %dma_start3A_318 = arith.constant 896 : i32
        %dma_start3A_319 = arith.constant 0 : i32
        %dma_start3A_320 = tpu.memref_slice %arg2[%dma_start3A_318, %dma_start3A_319] : memref<1000x128xf32, #tpu.memory_space<hbm>> -> memref<104x128xf32, #tpu.memory_space<hbm>>
        tpu.enqueue_dma source(%dma_start3A_320 : memref<104x128xf32, #tpu.memory_space<hbm>>) target(%dma_start3A_317 : memref<104x128xf32, #tpu.memory_space<vmem_shared>>) target_semaphore(%run_scoped3A : memref<!tpu.dma_semaphore, #tpu.memory_space<semaphore_mem>>)
        %dma_wait3A_321 = arith.constant 896 : i32
        %dma_wait3A_322 = arith.constant 0 : i32
        %dma_wait3A_323 = tpu.memref_slice %arg7[%dma_wait3A_321, %dma_wait3A_322] : memref<1000x128xf32, #tpu.memory_space<vmem_shared>> -> memref<104x128xf32, #tpu.memory_space<vmem_shared>>
        %dma_wait3A_324 = arith.constant 896 : i32
        %dma_wait3A_325 = arith.constant 0 : i32
        %dma_wait3A_326 = tpu.memref_slice %arg2[%dma_wait3A_324, %dma_wait3A_325] : memref<1000x128xf32, #tpu.memory_space<hbm>> -> memref<104x128xf32, #tpu.memory_space<hbm>>
        tpu.wait_dma2 semaphore(%run_scoped3A : memref<!tpu.dma_semaphore, #tpu.memory_space<semaphore_mem>>) src(%dma_wait3A_326 : memref<104x128xf32, #tpu.memory_space<hbm>>) dst(%dma_wait3A_323 : memref<104x128xf32, #tpu.memory_space<vmem_shared>>)
        tpu.yield
      }) : () -> ()
    } else {
    }
    %dma_wait3A = tpu.memref_slice %arg3[%mul3A_2] : memref<16384xi32, #tpu.memory_space<hbm>> -> memref<512xi32, #tpu.memory_space<hbm>>
    %dma_wait3A_10 = tpu.memref_slice %arg3[%mul3A_2] : memref<16384xi32, #tpu.memory_space<hbm>> -> memref<512xi32, #tpu.memory_space<hbm>>
    tpu.wait_dma2 semaphore(%arg10 : memref<!tpu.dma_semaphore, #tpu.memory_space<semaphore_mem>>) src(%dma_wait3A_10 : memref<512xi32, #tpu.memory_space<hbm>>) dst(%arg5 : memref<512xi32, #tpu.memory_space<vmem>>)
    %barrier3A = arith.constant 0 : index
    tpu.barrier barrier_id(%barrier3A)
    %dma_start3A_11 = arith.constant 0 : i32
    %dma_start3A_12 = arith.constant 0 : i32
    %dma_start3A_13 = tpu.memref_slice %arg6[%dma_start3A_11, %dma_start3A_12] : memref<512x128xf32, #tpu.memory_space<vmem>> -> memref<64x128xf32, #tpu.memory_space<vmem>>
    %dma_start3A_14 = arith.constant 0 : i32
    %dma_start3A_15 = tpu.memref_slice %arg5[%dma_start3A_14] : memref<512xi32, #tpu.memory_space<vmem>> -> memref<64xi32, #tpu.memory_space<vmem>>
    %dma_start3A_16 = arith.constant 0 : i32
    %dma_start3A_17 = arith.constant 0 : i32
    %dma_start3A_18 = tpu.memref_slice %arg7[%dma_start3A_16, %dma_start3A_17] : memref<1000x128xf32, #tpu.memory_space<vmem_shared>> -> memref<1000x128xf32, #tpu.memory_space<vmem_shared>>
    tpu.enqueue_indirect_dma source(%dma_start3A_18 : memref<1000x128xf32, #tpu.memory_space<vmem_shared>>) target(%dma_start3A_13 : memref<64x128xf32, #tpu.memory_space<vmem>>) offsets(%dma_start3A_15 : memref<64xi32, #tpu.memory_space<vmem>>) semaphore(%arg8 : memref<!tpu.dma_semaphore, #tpu.memory_space<semaphore_mem>>)
    %dma_start3A_19 = arith.constant 64 : i32
    %dma_start3A_20 = arith.constant 0 : i32
    %dma_start3A_21 = tpu.memref_slice %arg6[%dma_start3A_19, %dma_start3A_20] : memref<512x128xf32, #tpu.memory_space<vmem>> -> memref<64x128xf32, #tpu.memory_space<vmem>>
    %dma_start3A_22 = arith.constant 64 : i32
    %dma_start3A_23 = tpu.memref_slice %arg5[%dma_start3A_22] : memref<512xi32, #tpu.memory_space<vmem>> -> memref<64xi32, #tpu.memory_space<vmem>>
    %dma_start3A_24 = arith.constant 0 : i32
    %dma_start3A_25 = arith.constant 0 : i32
    %dma_start3A_26 = tpu.memref_slice %arg7[%dma_start3A_24, %dma_start3A_25] : memref<1000x128xf32, #tpu.memory_space<vmem_shared>> -> memref<1000x128xf32, #tpu.memory_space<vmem_shared>>
    tpu.enqueue_indirect_dma source(%dma_start3A_26 : memref<1000x128xf32, #tpu.memory_space<vmem_shared>>) target(%dma_start3A_21 : memref<64x128xf32, #tpu.memory_space<vmem>>) offsets(%dma_start3A_23 : memref<64xi32, #tpu.memory_space<vmem>>) semaphore(%arg8 : memref<!tpu.dma_semaphore, #tpu.memory_space<semaphore_mem>>)
    %dma_start3A_27 = arith.constant 128 : i32
    %dma_start3A_28 = arith.constant 0 : i32
    %dma_start3A_29 = tpu.memref_slice %arg6[%dma_start3A_27, %dma_start3A_28] : memref<512x128xf32, #tpu.memory_space<vmem>> -> memref<64x128xf32, #tpu.memory_space<vmem>>
    %dma_start3A_30 = arith.constant 128 : i32
    %dma_start3A_31 = tpu.memref_slice %arg5[%dma_start3A_30] : memref<512xi32, #tpu.memory_space<vmem>> -> memref<64xi32, #tpu.memory_space<vmem>>
    %dma_start3A_32 = arith.constant 0 : i32
    %dma_start3A_33 = arith.constant 0 : i32
    %dma_start3A_34 = tpu.memref_slice %arg7[%dma_start3A_32, %dma_start3A_33] : memref<1000x128xf32, #tpu.memory_space<vmem_shared>> -> memref<1000x128xf32, #tpu.memory_space<vmem_shared>>
    tpu.enqueue_indirect_dma source(%dma_start3A_34 : memref<1000x128xf32, #tpu.memory_space<vmem_shared>>) target(%dma_start3A_29 : memref<64x128xf32, #tpu.memory_space<vmem>>) offsets(%dma_start3A_31 : memref<64xi32, #tpu.memory_space<vmem>>) semaphore(%arg8 : memref<!tpu.dma_semaphore, #tpu.memory_space<semaphore_mem>>)
    %dma_start3A_35 = arith.constant 192 : i32
    %dma_start3A_36 = arith.constant 0 : i32
    %dma_start3A_37 = tpu.memref_slice %arg6[%dma_start3A_35, %dma_start3A_36] : memref<512x128xf32, #tpu.memory_space<vmem>> -> memref<64x128xf32, #tpu.memory_space<vmem>>
    %dma_start3A_38 = arith.constant 192 : i32
    %dma_start3A_39 = tpu.memref_slice %arg5[%dma_start3A_38] : memref<512xi32, #tpu.memory_space<vmem>> -> memref<64xi32, #tpu.memory_space<vmem>>
    %dma_start3A_40 = arith.constant 0 : i32
    %dma_start3A_41 = arith.constant 0 : i32
    %dma_start3A_42 = tpu.memref_slice %arg7[%dma_start3A_40, %dma_start3A_41] : memref<1000x128xf32, #tpu.memory_space<vmem_shared>> -> memref<1000x128xf32, #tpu.memory_space<vmem_shared>>
    tpu.enqueue_indirect_dma source(%dma_start3A_42 : memref<1000x128xf32, #tpu.memory_space<vmem_shared>>) target(%dma_start3A_37 : memref<64x128xf32, #tpu.memory_space<vmem>>) offsets(%dma_start3A_39 : memref<64xi32, #tpu.memory_space<vmem>>) semaphore(%arg8 : memref<!tpu.dma_semaphore, #tpu.memory_space<semaphore_mem>>)
    %dma_start3A_43 = arith.constant 256 : i32
    %dma_start3A_44 = arith.constant 0 : i32
    %dma_start3A_45 = tpu.memref_slice %arg6[%dma_start3A_43, %dma_start3A_44] : memref<512x128xf32, #tpu.memory_space<vmem>> -> memref<64x128xf32, #tpu.memory_space<vmem>>
    %dma_start3A_46 = arith.constant 256 : i32
    %dma_start3A_47 = tpu.memref_slice %arg5[%dma_start3A_46] : memref<512xi32, #tpu.memory_space<vmem>> -> memref<64xi32, #tpu.memory_space<vmem>>
    %dma_start3A_48 = arith.constant 0 : i32
    %dma_start3A_49 = arith.constant 0 : i32
    %dma_start3A_50 = tpu.memref_slice %arg7[%dma_start3A_48, %dma_start3A_49] : memref<1000x128xf32, #tpu.memory_space<vmem_shared>> -> memref<1000x128xf32, #tpu.memory_space<vmem_shared>>
    tpu.enqueue_indirect_dma source(%dma_start3A_50 : memref<1000x128xf32, #tpu.memory_space<vmem_shared>>) target(%dma_start3A_45 : memref<64x128xf32, #tpu.memory_space<vmem>>) offsets(%dma_start3A_47 : memref<64xi32, #tpu.memory_space<vmem>>) semaphore(%arg8 : memref<!tpu.dma_semaphore, #tpu.memory_space<semaphore_mem>>)
    %dma_start3A_51 = arith.constant 320 : i32
    %dma_start3A_52 = arith.constant 0 : i32
    %dma_start3A_53 = tpu.memref_slice %arg6[%dma_start3A_51, %dma_start3A_52] : memref<512x128xf32, #tpu.memory_space<vmem>> -> memref<64x128xf32, #tpu.memory_space<vmem>>
    %dma_start3A_54 = arith.constant 320 : i32
    %dma_start3A_55 = tpu.memref_slice %arg5[%dma_start3A_54] : memref<512xi32, #tpu.memory_space<vmem>> -> memref<64xi32, #tpu.memory_space<vmem>>
    %dma_start3A_56 = arith.constant 0 : i32
    %dma_start3A_57 = arith.constant 0 : i32
    %dma_start3A_58 = tpu.memref_slice %arg7[%dma_start3A_56, %dma_start3A_57] : memref<1000x128xf32, #tpu.memory_space<vmem_shared>> -> memref<1000x128xf32, #tpu.memory_space<vmem_shared>>
    tpu.enqueue_indirect_dma source(%dma_start3A_58 : memref<1000x128xf32, #tpu.memory_space<vmem_shared>>) target(%dma_start3A_53 : memref<64x128xf32, #tpu.memory_space<vmem>>) offsets(%dma_start3A_55 : memref<64xi32, #tpu.memory_space<vmem>>) semaphore(%arg8 : memref<!tpu.dma_semaphore, #tpu.memory_space<semaphore_mem>>)
    %dma_start3A_59 = arith.constant 384 : i32
    %dma_start3A_60 = arith.constant 0 : i32
    %dma_start3A_61 = tpu.memref_slice %arg6[%dma_start3A_59, %dma_start3A_60] : memref<512x128xf32, #tpu.memory_space<vmem>> -> memref<64x128xf32, #tpu.memory_space<vmem>>
    %dma_start3A_62 = arith.constant 384 : i32
    %dma_start3A_63 = tpu.memref_slice %arg5[%dma_start3A_62] : memref<512xi32, #tpu.memory_space<vmem>> -> memref<64xi32, #tpu.memory_space<vmem>>
    %dma_start3A_64 = arith.constant 0 : i32
    %dma_start3A_65 = arith.constant 0 : i32
    %dma_start3A_66 = tpu.memref_slice %arg7[%dma_start3A_64, %dma_start3A_65] : memref<1000x128xf32, #tpu.memory_space<vmem_shared>> -> memref<1000x128xf32, #tpu.memory_space<vmem_shared>>
    tpu.enqueue_indirect_dma source(%dma_start3A_66 : memref<1000x128xf32, #tpu.memory_space<vmem_shared>>) target(%dma_start3A_61 : memref<64x128xf32, #tpu.memory_space<vmem>>) offsets(%dma_start3A_63 : memref<64xi32, #tpu.memory_space<vmem>>) semaphore(%arg8 : memref<!tpu.dma_semaphore, #tpu.memory_space<semaphore_mem>>)
    %dma_start3A_67 = arith.constant 448 : i32
    %dma_start3A_68 = arith.constant 0 : i32
    %dma_start3A_69 = tpu.memref_slice %arg6[%dma_start3A_67, %dma_start3A_68] : memref<512x128xf32, #tpu.memory_space<vmem>> -> memref<64x128xf32, #tpu.memory_space<vmem>>
    %dma_start3A_70 = arith.constant 448 : i32
    %dma_start3A_71 = tpu.memref_slice %arg5[%dma_start3A_70] : memref<512xi32, #tpu.memory_space<vmem>> -> memref<64xi32, #tpu.memory_space<vmem>>
    %dma_start3A_72 = arith.constant 0 : i32
    %dma_start3A_73 = arith.constant 0 : i32
    %dma_start3A_74 = tpu.memref_slice %arg7[%dma_start3A_72, %dma_start3A_73] : memref<1000x128xf32, #tpu.memory_space<vmem_shared>> -> memref<1000x128xf32, #tpu.memory_space<vmem_shared>>
    tpu.enqueue_indirect_dma source(%dma_start3A_74 : memref<1000x128xf32, #tpu.memory_space<vmem_shared>>) target(%dma_start3A_69 : memref<64x128xf32, #tpu.memory_space<vmem>>) offsets(%dma_start3A_71 : memref<64xi32, #tpu.memory_space<vmem>>) semaphore(%arg8 : memref<!tpu.dma_semaphore, #tpu.memory_space<semaphore_mem>>)
    %dma_wait3A_75 = arith.constant 0 : i32
    %dma_wait3A_76 = arith.constant 0 : i32
    %dma_wait3A_77 = tpu.memref_slice %arg6[%dma_wait3A_75, %dma_wait3A_76] : memref<512x128xf32, #tpu.memory_space<vmem>> -> memref<64x128xf32, #tpu.memory_space<vmem>>
    %dma_wait3A_78 = arith.constant 0 : i32
    %dma_wait3A_79 = tpu.memref_slice %arg5[%dma_wait3A_78] : memref<512xi32, #tpu.memory_space<vmem>> -> memref<64xi32, #tpu.memory_space<vmem>>
    %dma_wait3A_80 = arith.constant 0 : i32
    %dma_wait3A_81 = arith.constant 0 : i32
    %dma_wait3A_82 = tpu.memref_slice %arg7[%dma_wait3A_80, %dma_wait3A_81] : memref<1000x128xf32, #tpu.memory_space<vmem_shared>> -> memref<1000x128xf32, #tpu.memory_space<vmem_shared>>
    tpu.wait_indirect_dma semaphore(%arg8 : memref<!tpu.dma_semaphore, #tpu.memory_space<semaphore_mem>>) src(%dma_wait3A_82 : memref<1000x128xf32, #tpu.memory_space<vmem_shared>>) dst(%dma_wait3A_77 : memref<64x128xf32, #tpu.memory_space<vmem>>)
    %add3A_83 = arith.constant 0 : i32
    %add3A_84 = arith.addi %mul3A_2, %add3A_83 : i32
    %dma_start3A_85 = arith.constant 0 : i32
    %dma_start3A_86 = arith.constant 0 : i32
    %dma_start3A_87 = tpu.memref_slice %arg6[%dma_start3A_85, %dma_start3A_86] : memref<512x128xf32, #tpu.memory_space<vmem>> -> memref<64x128xf32, #tpu.memory_space<vmem>>
    %dma_start3A_88 = arith.constant 0 : i32
    %dma_start3A_89 = tpu.memref_slice %arg4[%add3A_84, %dma_start3A_88] : memref<16384x128xf32, #tpu.memory_space<hbm>> -> memref<64x128xf32, #tpu.memory_space<hbm>>
    %dma_start3A_90 = arith.constant 0 : i32
    %dma_start3A_91 = tpu.memref_slice %arg4[%add3A_84, %dma_start3A_90] : memref<16384x128xf32, #tpu.memory_space<hbm>> -> memref<64x128xf32, #tpu.memory_space<hbm>>
    %dma_start3A_92 = arith.constant 0 : i32
    %dma_start3A_93 = arith.constant 0 : i32
    %dma_start3A_94 = tpu.memref_slice %arg6[%dma_start3A_92, %dma_start3A_93] : memref<512x128xf32, #tpu.memory_space<vmem>> -> memref<64x128xf32, #tpu.memory_space<vmem>>
    tpu.enqueue_dma source(%dma_start3A_94 : memref<64x128xf32, #tpu.memory_space<vmem>>) target(%dma_start3A_91 : memref<64x128xf32, #tpu.memory_space<hbm>>) target_semaphore(%arg9 : memref<!tpu.dma_semaphore, #tpu.memory_space<semaphore_mem>>)
    %dma_wait3A_95 = arith.constant 64 : i32
    %dma_wait3A_96 = arith.constant 0 : i32
    %dma_wait3A_97 = tpu.memref_slice %arg6[%dma_wait3A_95, %dma_wait3A_96] : memref<512x128xf32, #tpu.memory_space<vmem>> -> memref<64x128xf32, #tpu.memory_space<vmem>>
    %dma_wait3A_98 = arith.constant 64 : i32
    %dma_wait3A_99 = tpu.memref_slice %arg5[%dma_wait3A_98] : memref<512xi32, #tpu.memory_space<vmem>> -> memref<64xi32, #tpu.memory_space<vmem>>
    %dma_wait3A_100 = arith.constant 0 : i32
    %dma_wait3A_101 = arith.constant 0 : i32
    %dma_wait3A_102 = tpu.memref_slice %arg7[%dma_wait3A_100, %dma_wait3A_101] : memref<1000x128xf32, #tpu.memory_space<vmem_shared>> -> memref<1000x128xf32, #tpu.memory_space<vmem_shared>>
    tpu.wait_indirect_dma semaphore(%arg8 : memref<!tpu.dma_semaphore, #tpu.memory_space<semaphore_mem>>) src(%dma_wait3A_102 : memref<1000x128xf32, #tpu.memory_space<vmem_shared>>) dst(%dma_wait3A_97 : memref<64x128xf32, #tpu.memory_space<vmem>>)
    %add3A_103 = arith.constant 64 : i32
    %add3A_104 = arith.addi %mul3A_2, %add3A_103 : i32
    %dma_start3A_105 = arith.constant 64 : i32
    %dma_start3A_106 = arith.constant 0 : i32
    %dma_start3A_107 = tpu.memref_slice %arg6[%dma_start3A_105, %dma_start3A_106] : memref<512x128xf32, #tpu.memory_space<vmem>> -> memref<64x128xf32, #tpu.memory_space<vmem>>
    %dma_start3A_108 = arith.constant 0 : i32
    %dma_start3A_109 = tpu.memref_slice %arg4[%add3A_104, %dma_start3A_108] : memref<16384x128xf32, #tpu.memory_space<hbm>> -> memref<64x128xf32, #tpu.memory_space<hbm>>
    %dma_start3A_110 = arith.constant 0 : i32
    %dma_start3A_111 = tpu.memref_slice %arg4[%add3A_104, %dma_start3A_110] : memref<16384x128xf32, #tpu.memory_space<hbm>> -> memref<64x128xf32, #tpu.memory_space<hbm>>
    %dma_start3A_112 = arith.constant 64 : i32
    %dma_start3A_113 = arith.constant 0 : i32
    %dma_start3A_114 = tpu.memref_slice %arg6[%dma_start3A_112, %dma_start3A_113] : memref<512x128xf32, #tpu.memory_space<vmem>> -> memref<64x128xf32, #tpu.memory_space<vmem>>
    tpu.enqueue_dma source(%dma_start3A_114 : memref<64x128xf32, #tpu.memory_space<vmem>>) target(%dma_start3A_111 : memref<64x128xf32, #tpu.memory_space<hbm>>) target_semaphore(%arg9 : memref<!tpu.dma_semaphore, #tpu.memory_space<semaphore_mem>>)
    %dma_wait3A_115 = arith.constant 128 : i32
    %dma_wait3A_116 = arith.constant 0 : i32
    %dma_wait3A_117 = tpu.memref_slice %arg6[%dma_wait3A_115, %dma_wait3A_116] : memref<512x128xf32, #tpu.memory_space<vmem>> -> memref<64x128xf32, #tpu.memory_space<vmem>>
    %dma_wait3A_118 = arith.constant 128 : i32
    %dma_wait3A_119 = tpu.memref_slice %arg5[%dma_wait3A_118] : memref<512xi32, #tpu.memory_space<vmem>> -> memref<64xi32, #tpu.memory_space<vmem>>
    %dma_wait3A_120 = arith.constant 0 : i32
    %dma_wait3A_121 = arith.constant 0 : i32
    %dma_wait3A_122 = tpu.memref_slice %arg7[%dma_wait3A_120, %dma_wait3A_121] : memref<1000x128xf32, #tpu.memory_space<vmem_shared>> -> memref<1000x128xf32, #tpu.memory_space<vmem_shared>>
    tpu.wait_indirect_dma semaphore(%arg8 : memref<!tpu.dma_semaphore, #tpu.memory_space<semaphore_mem>>) src(%dma_wait3A_122 : memref<1000x128xf32, #tpu.memory_space<vmem_shared>>) dst(%dma_wait3A_117 : memref<64x128xf32, #tpu.memory_space<vmem>>)
    %add3A_123 = arith.constant 128 : i32
    %add3A_124 = arith.addi %mul3A_2, %add3A_123 : i32
    %dma_start3A_125 = arith.constant 128 : i32
    %dma_start3A_126 = arith.constant 0 : i32
    %dma_start3A_127 = tpu.memref_slice %arg6[%dma_start3A_125, %dma_start3A_126] : memref<512x128xf32, #tpu.memory_space<vmem>> -> memref<64x128xf32, #tpu.memory_space<vmem>>
    %dma_start3A_128 = arith.constant 0 : i32
    %dma_start3A_129 = tpu.memref_slice %arg4[%add3A_124, %dma_start3A_128] : memref<16384x128xf32, #tpu.memory_space<hbm>> -> memref<64x128xf32, #tpu.memory_space<hbm>>
    %dma_start3A_130 = arith.constant 0 : i32
    %dma_start3A_131 = tpu.memref_slice %arg4[%add3A_124, %dma_start3A_130] : memref<16384x128xf32, #tpu.memory_space<hbm>> -> memref<64x128xf32, #tpu.memory_space<hbm>>
    %dma_start3A_132 = arith.constant 128 : i32
    %dma_start3A_133 = arith.constant 0 : i32
    %dma_start3A_134 = tpu.memref_slice %arg6[%dma_start3A_132, %dma_start3A_133] : memref<512x128xf32, #tpu.memory_space<vmem>> -> memref<64x128xf32, #tpu.memory_space<vmem>>
    tpu.enqueue_dma source(%dma_start3A_134 : memref<64x128xf32, #tpu.memory_space<vmem>>) target(%dma_start3A_131 : memref<64x128xf32, #tpu.memory_space<hbm>>) target_semaphore(%arg9 : memref<!tpu.dma_semaphore, #tpu.memory_space<semaphore_mem>>)
    %dma_wait3A_135 = arith.constant 192 : i32
    %dma_wait3A_136 = arith.constant 0 : i32
    %dma_wait3A_137 = tpu.memref_slice %arg6[%dma_wait3A_135, %dma_wait3A_136] : memref<512x128xf32, #tpu.memory_space<vmem>> -> memref<64x128xf32, #tpu.memory_space<vmem>>
    %dma_wait3A_138 = arith.constant 192 : i32
    %dma_wait3A_139 = tpu.memref_slice %arg5[%dma_wait3A_138] : memref<512xi32, #tpu.memory_space<vmem>> -> memref<64xi32, #tpu.memory_space<vmem>>
    %dma_wait3A_140 = arith.constant 0 : i32
    %dma_wait3A_141 = arith.constant 0 : i32
    %dma_wait3A_142 = tpu.memref_slice %arg7[%dma_wait3A_140, %dma_wait3A_141] : memref<1000x128xf32, #tpu.memory_space<vmem_shared>> -> memref<1000x128xf32, #tpu.memory_space<vmem_shared>>
    tpu.wait_indirect_dma semaphore(%arg8 : memref<!tpu.dma_semaphore, #tpu.memory_space<semaphore_mem>>) src(%dma_wait3A_142 : memref<1000x128xf32, #tpu.memory_space<vmem_shared>>) dst(%dma_wait3A_137 : memref<64x128xf32, #tpu.memory_space<vmem>>)
    %add3A_143 = arith.constant 192 : i32
    %add3A_144 = arith.addi %mul3A_2, %add3A_143 : i32
    %dma_start3A_145 = arith.constant 192 : i32
    %dma_start3A_146 = arith.constant 0 : i32
    %dma_start3A_147 = tpu.memref_slice %arg6[%dma_start3A_145, %dma_start3A_146] : memref<512x128xf32, #tpu.memory_space<vmem>> -> memref<64x128xf32, #tpu.memory_space<vmem>>
    %dma_start3A_148 = arith.constant 0 : i32
    %dma_start3A_149 = tpu.memref_slice %arg4[%add3A_144, %dma_start3A_148] : memref<16384x128xf32, #tpu.memory_space<hbm>> -> memref<64x128xf32, #tpu.memory_space<hbm>>
    %dma_start3A_150 = arith.constant 0 : i32
    %dma_start3A_151 = tpu.memref_slice %arg4[%add3A_144, %dma_start3A_150] : memref<16384x128xf32, #tpu.memory_space<hbm>> -> memref<64x128xf32, #tpu.memory_space<hbm>>
    %dma_start3A_152 = arith.constant 192 : i32
    %dma_start3A_153 = arith.constant 0 : i32
    %dma_start3A_154 = tpu.memref_slice %arg6[%dma_start3A_152, %dma_start3A_153] : memref<512x128xf32, #tpu.memory_space<vmem>> -> memref<64x128xf32, #tpu.memory_space<vmem>>
    tpu.enqueue_dma source(%dma_start3A_154 : memref<64x128xf32, #tpu.memory_space<vmem>>) target(%dma_start3A_151 : memref<64x128xf32, #tpu.memory_space<hbm>>) target_semaphore(%arg9 : memref<!tpu.dma_semaphore, #tpu.memory_space<semaphore_mem>>)
    %dma_wait3A_155 = arith.constant 256 : i32
    %dma_wait3A_156 = arith.constant 0 : i32
    %dma_wait3A_157 = tpu.memref_slice %arg6[%dma_wait3A_155, %dma_wait3A_156] : memref<512x128xf32, #tpu.memory_space<vmem>> -> memref<64x128xf32, #tpu.memory_space<vmem>>
    %dma_wait3A_158 = arith.constant 256 : i32
    %dma_wait3A_159 = tpu.memref_slice %arg5[%dma_wait3A_158] : memref<512xi32, #tpu.memory_space<vmem>> -> memref<64xi32, #tpu.memory_space<vmem>>
    %dma_wait3A_160 = arith.constant 0 : i32
    %dma_wait3A_161 = arith.constant 0 : i32
    %dma_wait3A_162 = tpu.memref_slice %arg7[%dma_wait3A_160, %dma_wait3A_161] : memref<1000x128xf32, #tpu.memory_space<vmem_shared>> -> memref<1000x128xf32, #tpu.memory_space<vmem_shared>>
    tpu.wait_indirect_dma semaphore(%arg8 : memref<!tpu.dma_semaphore, #tpu.memory_space<semaphore_mem>>) src(%dma_wait3A_162 : memref<1000x128xf32, #tpu.memory_space<vmem_shared>>) dst(%dma_wait3A_157 : memref<64x128xf32, #tpu.memory_space<vmem>>)
    %add3A_163 = arith.constant 256 : i32
    %add3A_164 = arith.addi %mul3A_2, %add3A_163 : i32
    %dma_start3A_165 = arith.constant 256 : i32
    %dma_start3A_166 = arith.constant 0 : i32
    %dma_start3A_167 = tpu.memref_slice %arg6[%dma_start3A_165, %dma_start3A_166] : memref<512x128xf32, #tpu.memory_space<vmem>> -> memref<64x128xf32, #tpu.memory_space<vmem>>
    %dma_start3A_168 = arith.constant 0 : i32
    %dma_start3A_169 = tpu.memref_slice %arg4[%add3A_164, %dma_start3A_168] : memref<16384x128xf32, #tpu.memory_space<hbm>> -> memref<64x128xf32, #tpu.memory_space<hbm>>
    %dma_start3A_170 = arith.constant 0 : i32
    %dma_start3A_171 = tpu.memref_slice %arg4[%add3A_164, %dma_start3A_170] : memref<16384x128xf32, #tpu.memory_space<hbm>> -> memref<64x128xf32, #tpu.memory_space<hbm>>
    %dma_start3A_172 = arith.constant 256 : i32
    %dma_start3A_173 = arith.constant 0 : i32
    %dma_start3A_174 = tpu.memref_slice %arg6[%dma_start3A_172, %dma_start3A_173] : memref<512x128xf32, #tpu.memory_space<vmem>> -> memref<64x128xf32, #tpu.memory_space<vmem>>
    tpu.enqueue_dma source(%dma_start3A_174 : memref<64x128xf32, #tpu.memory_space<vmem>>) target(%dma_start3A_171 : memref<64x128xf32, #tpu.memory_space<hbm>>) target_semaphore(%arg9 : memref<!tpu.dma_semaphore, #tpu.memory_space<semaphore_mem>>)
    %dma_wait3A_175 = arith.constant 320 : i32
    %dma_wait3A_176 = arith.constant 0 : i32
    %dma_wait3A_177 = tpu.memref_slice %arg6[%dma_wait3A_175, %dma_wait3A_176] : memref<512x128xf32, #tpu.memory_space<vmem>> -> memref<64x128xf32, #tpu.memory_space<vmem>>
    %dma_wait3A_178 = arith.constant 320 : i32
    %dma_wait3A_179 = tpu.memref_slice %arg5[%dma_wait3A_178] : memref<512xi32, #tpu.memory_space<vmem>> -> memref<64xi32, #tpu.memory_space<vmem>>
    %dma_wait3A_180 = arith.constant 0 : i32
    %dma_wait3A_181 = arith.constant 0 : i32
    %dma_wait3A_182 = tpu.memref_slice %arg7[%dma_wait3A_180, %dma_wait3A_181] : memref<1000x128xf32, #tpu.memory_space<vmem_shared>> -> memref<1000x128xf32, #tpu.memory_space<vmem_shared>>
    tpu.wait_indirect_dma semaphore(%arg8 : memref<!tpu.dma_semaphore, #tpu.memory_space<semaphore_mem>>) src(%dma_wait3A_182 : memref<1000x128xf32, #tpu.memory_space<vmem_shared>>) dst(%dma_wait3A_177 : memref<64x128xf32, #tpu.memory_space<vmem>>)
    %add3A_183 = arith.constant 320 : i32
    %add3A_184 = arith.addi %mul3A_2, %add3A_183 : i32
    %dma_start3A_185 = arith.constant 320 : i32
    %dma_start3A_186 = arith.constant 0 : i32
    %dma_start3A_187 = tpu.memref_slice %arg6[%dma_start3A_185, %dma_start3A_186] : memref<512x128xf32, #tpu.memory_space<vmem>> -> memref<64x128xf32, #tpu.memory_space<vmem>>
    %dma_start3A_188 = arith.constant 0 : i32
    %dma_start3A_189 = tpu.memref_slice %arg4[%add3A_184, %dma_start3A_188] : memref<16384x128xf32, #tpu.memory_space<hbm>> -> memref<64x128xf32, #tpu.memory_space<hbm>>
    %dma_start3A_190 = arith.constant 0 : i32
    %dma_start3A_191 = tpu.memref_slice %arg4[%add3A_184, %dma_start3A_190] : memref<16384x128xf32, #tpu.memory_space<hbm>> -> memref<64x128xf32, #tpu.memory_space<hbm>>
    %dma_start3A_192 = arith.constant 320 : i32
    %dma_start3A_193 = arith.constant 0 : i32
    %dma_start3A_194 = tpu.memref_slice %arg6[%dma_start3A_192, %dma_start3A_193] : memref<512x128xf32, #tpu.memory_space<vmem>> -> memref<64x128xf32, #tpu.memory_space<vmem>>
    tpu.enqueue_dma source(%dma_start3A_194 : memref<64x128xf32, #tpu.memory_space<vmem>>) target(%dma_start3A_191 : memref<64x128xf32, #tpu.memory_space<hbm>>) target_semaphore(%arg9 : memref<!tpu.dma_semaphore, #tpu.memory_space<semaphore_mem>>)
    %dma_wait3A_195 = arith.constant 384 : i32
    %dma_wait3A_196 = arith.constant 0 : i32
    %dma_wait3A_197 = tpu.memref_slice %arg6[%dma_wait3A_195, %dma_wait3A_196] : memref<512x128xf32, #tpu.memory_space<vmem>> -> memref<64x128xf32, #tpu.memory_space<vmem>>
    %dma_wait3A_198 = arith.constant 384 : i32
    %dma_wait3A_199 = tpu.memref_slice %arg5[%dma_wait3A_198] : memref<512xi32, #tpu.memory_space<vmem>> -> memref<64xi32, #tpu.memory_space<vmem>>
    %dma_wait3A_200 = arith.constant 0 : i32
    %dma_wait3A_201 = arith.constant 0 : i32
    %dma_wait3A_202 = tpu.memref_slice %arg7[%dma_wait3A_200, %dma_wait3A_201] : memref<1000x128xf32, #tpu.memory_space<vmem_shared>> -> memref<1000x128xf32, #tpu.memory_space<vmem_shared>>
    tpu.wait_indirect_dma semaphore(%arg8 : memref<!tpu.dma_semaphore, #tpu.memory_space<semaphore_mem>>) src(%dma_wait3A_202 : memref<1000x128xf32, #tpu.memory_space<vmem_shared>>) dst(%dma_wait3A_197 : memref<64x128xf32, #tpu.memory_space<vmem>>)
    %add3A_203 = arith.constant 384 : i32
    %add3A_204 = arith.addi %mul3A_2, %add3A_203 : i32
    %dma_start3A_205 = arith.constant 384 : i32
    %dma_start3A_206 = arith.constant 0 : i32
    %dma_start3A_207 = tpu.memref_slice %arg6[%dma_start3A_205, %dma_start3A_206] : memref<512x128xf32, #tpu.memory_space<vmem>> -> memref<64x128xf32, #tpu.memory_space<vmem>>
    %dma_start3A_208 = arith.constant 0 : i32
    %dma_start3A_209 = tpu.memref_slice %arg4[%add3A_204, %dma_start3A_208] : memref<16384x128xf32, #tpu.memory_space<hbm>> -> memref<64x128xf32, #tpu.memory_space<hbm>>
    %dma_start3A_210 = arith.constant 0 : i32
    %dma_start3A_211 = tpu.memref_slice %arg4[%add3A_204, %dma_start3A_210] : memref<16384x128xf32, #tpu.memory_space<hbm>> -> memref<64x128xf32, #tpu.memory_space<hbm>>
    %dma_start3A_212 = arith.constant 384 : i32
    %dma_start3A_213 = arith.constant 0 : i32
    %dma_start3A_214 = tpu.memref_slice %arg6[%dma_start3A_212, %dma_start3A_213] : memref<512x128xf32, #tpu.memory_space<vmem>> -> memref<64x128xf32, #tpu.memory_space<vmem>>
    tpu.enqueue_dma source(%dma_start3A_214 : memref<64x128xf32, #tpu.memory_space<vmem>>) target(%dma_start3A_211 : memref<64x128xf32, #tpu.memory_space<hbm>>) target_semaphore(%arg9 : memref<!tpu.dma_semaphore, #tpu.memory_space<semaphore_mem>>)
    %dma_wait3A_215 = arith.constant 448 : i32
    %dma_wait3A_216 = arith.constant 0 : i32
    %dma_wait3A_217 = tpu.memref_slice %arg6[%dma_wait3A_215, %dma_wait3A_216] : memref<512x128xf32, #tpu.memory_space<vmem>> -> memref<64x128xf32, #tpu.memory_space<vmem>>
    %dma_wait3A_218 = arith.constant 448 : i32
    %dma_wait3A_219 = tpu.memref_slice %arg5[%dma_wait3A_218] : memref<512xi32, #tpu.memory_space<vmem>> -> memref<64xi32, #tpu.memory_space<vmem>>
    %dma_wait3A_220 = arith.constant 0 : i32
    %dma_wait3A_221 = arith.constant 0 : i32
    %dma_wait3A_222 = tpu.memref_slice %arg7[%dma_wait3A_220, %dma_wait3A_221] : memref<1000x128xf32, #tpu.memory_space<vmem_shared>> -> memref<1000x128xf32, #tpu.memory_space<vmem_shared>>
    tpu.wait_indirect_dma semaphore(%arg8 : memref<!tpu.dma_semaphore, #tpu.memory_space<semaphore_mem>>) src(%dma_wait3A_222 : memref<1000x128xf32, #tpu.memory_space<vmem_shared>>) dst(%dma_wait3A_217 : memref<64x128xf32, #tpu.memory_space<vmem>>)
    %add3A_223 = arith.constant 448 : i32
    %add3A_224 = arith.addi %mul3A_2, %add3A_223 : i32
    %dma_start3A_225 = arith.constant 448 : i32
    %dma_start3A_226 = arith.constant 0 : i32
    %dma_start3A_227 = tpu.memref_slice %arg6[%dma_start3A_225, %dma_start3A_226] : memref<512x128xf32, #tpu.memory_space<vmem>> -> memref<64x128xf32, #tpu.memory_space<vmem>>
    %dma_start3A_228 = arith.constant 0 : i32
    %dma_start3A_229 = tpu.memref_slice %arg4[%add3A_224, %dma_start3A_228] : memref<16384x128xf32, #tpu.memory_space<hbm>> -> memref<64x128xf32, #tpu.memory_space<hbm>>
    %dma_start3A_230 = arith.constant 0 : i32
    %dma_start3A_231 = tpu.memref_slice %arg4[%add3A_224, %dma_start3A_230] : memref<16384x128xf32, #tpu.memory_space<hbm>> -> memref<64x128xf32, #tpu.memory_space<hbm>>
    %dma_start3A_232 = arith.constant 448 : i32
    %dma_start3A_233 = arith.constant 0 : i32
    %dma_start3A_234 = tpu.memref_slice %arg6[%dma_start3A_232, %dma_start3A_233] : memref<512x128xf32, #tpu.memory_space<vmem>> -> memref<64x128xf32, #tpu.memory_space<vmem>>
    tpu.enqueue_dma source(%dma_start3A_234 : memref<64x128xf32, #tpu.memory_space<vmem>>) target(%dma_start3A_231 : memref<64x128xf32, #tpu.memory_space<hbm>>) target_semaphore(%arg9 : memref<!tpu.dma_semaphore, #tpu.memory_space<semaphore_mem>>)
    %dma_wait3A_235 = arith.constant 0 : i32
    %dma_wait3A_236 = arith.constant 0 : i32
    %dma_wait3A_237 = tpu.memref_slice %arg6[%dma_wait3A_235, %dma_wait3A_236] : memref<512x128xf32, #tpu.memory_space<vmem>> -> memref<64x128xf32, #tpu.memory_space<vmem>>
    %dma_wait3A_238 = arith.constant 0 : i32
    %dma_wait3A_239 = tpu.memref_slice %arg4[%add3A_84, %dma_wait3A_238] : memref<16384x128xf32, #tpu.memory_space<hbm>> -> memref<64x128xf32, #tpu.memory_space<hbm>>
    %dma_wait3A_240 = arith.constant 0 : i32
    %dma_wait3A_241 = tpu.memref_slice %arg4[%add3A_84, %dma_wait3A_240] : memref<16384x128xf32, #tpu.memory_space<hbm>> -> memref<64x128xf32, #tpu.memory_space<hbm>>
    %dma_wait3A_242 = arith.constant 0 : i32
    %dma_wait3A_243 = arith.constant 0 : i32
    %dma_wait3A_244 = tpu.memref_slice %arg6[%dma_wait3A_242, %dma_wait3A_243] : memref<512x128xf32, #tpu.memory_space<vmem>> -> memref<64x128xf32, #tpu.memory_space<vmem>>
    tpu.wait_dma2 semaphore(%arg9 : memref<!tpu.dma_semaphore, #tpu.memory_space<semaphore_mem>>) src(%dma_wait3A_244 : memref<64x128xf32, #tpu.memory_space<vmem>>) dst(%dma_wait3A_241 : memref<64x128xf32, #tpu.memory_space<hbm>>)
    %dma_wait3A_245 = arith.constant 64 : i32
    %dma_wait3A_246 = arith.constant 0 : i32
    %dma_wait3A_247 = tpu.memref_slice %arg6[%dma_wait3A_245, %dma_wait3A_246] : memref<512x128xf32, #tpu.memory_space<vmem>> -> memref<64x128xf32, #tpu.memory_space<vmem>>
    %dma_wait3A_248 = arith.constant 0 : i32
    %dma_wait3A_249 = tpu.memref_slice %arg4[%add3A_104, %dma_wait3A_248] : memref<16384x128xf32, #tpu.memory_space<hbm>> -> memref<64x128xf32, #tpu.memory_space<hbm>>
    %dma_wait3A_250 = arith.constant 0 : i32
    %dma_wait3A_251 = tpu.memref_slice %arg4[%add3A_104, %dma_wait3A_250] : memref<16384x128xf32, #tpu.memory_space<hbm>> -> memref<64x128xf32, #tpu.memory_space<hbm>>
    %dma_wait3A_252 = arith.constant 64 : i32
    %dma_wait3A_253 = arith.constant 0 : i32
    %dma_wait3A_254 = tpu.memref_slice %arg6[%dma_wait3A_252, %dma_wait3A_253] : memref<512x128xf32, #tpu.memory_space<vmem>> -> memref<64x128xf32, #tpu.memory_space<vmem>>
    tpu.wait_dma2 semaphore(%arg9 : memref<!tpu.dma_semaphore, #tpu.memory_space<semaphore_mem>>) src(%dma_wait3A_254 : memref<64x128xf32, #tpu.memory_space<vmem>>) dst(%dma_wait3A_251 : memref<64x128xf32, #tpu.memory_space<hbm>>)
    %dma_wait3A_255 = arith.constant 128 : i32
    %dma_wait3A_256 = arith.constant 0 : i32
    %dma_wait3A_257 = tpu.memref_slice %arg6[%dma_wait3A_255, %dma_wait3A_256] : memref<512x128xf32, #tpu.memory_space<vmem>> -> memref<64x128xf32, #tpu.memory_space<vmem>>
    %dma_wait3A_258 = arith.constant 0 : i32
    %dma_wait3A_259 = tpu.memref_slice %arg4[%add3A_124, %dma_wait3A_258] : memref<16384x128xf32, #tpu.memory_space<hbm>> -> memref<64x128xf32, #tpu.memory_space<hbm>>
    %dma_wait3A_260 = arith.constant 0 : i32
    %dma_wait3A_261 = tpu.memref_slice %arg4[%add3A_124, %dma_wait3A_260] : memref<16384x128xf32, #tpu.memory_space<hbm>> -> memref<64x128xf32, #tpu.memory_space<hbm>>
    %dma_wait3A_262 = arith.constant 128 : i32
    %dma_wait3A_263 = arith.constant 0 : i32
    %dma_wait3A_264 = tpu.memref_slice %arg6[%dma_wait3A_262, %dma_wait3A_263] : memref<512x128xf32, #tpu.memory_space<vmem>> -> memref<64x128xf32, #tpu.memory_space<vmem>>
    tpu.wait_dma2 semaphore(%arg9 : memref<!tpu.dma_semaphore, #tpu.memory_space<semaphore_mem>>) src(%dma_wait3A_264 : memref<64x128xf32, #tpu.memory_space<vmem>>) dst(%dma_wait3A_261 : memref<64x128xf32, #tpu.memory_space<hbm>>)
    %dma_wait3A_265 = arith.constant 192 : i32
    %dma_wait3A_266 = arith.constant 0 : i32
    %dma_wait3A_267 = tpu.memref_slice %arg6[%dma_wait3A_265, %dma_wait3A_266] : memref<512x128xf32, #tpu.memory_space<vmem>> -> memref<64x128xf32, #tpu.memory_space<vmem>>
    %dma_wait3A_268 = arith.constant 0 : i32
    %dma_wait3A_269 = tpu.memref_slice %arg4[%add3A_144, %dma_wait3A_268] : memref<16384x128xf32, #tpu.memory_space<hbm>> -> memref<64x128xf32, #tpu.memory_space<hbm>>
    %dma_wait3A_270 = arith.constant 0 : i32
    %dma_wait3A_271 = tpu.memref_slice %arg4[%add3A_144, %dma_wait3A_270] : memref<16384x128xf32, #tpu.memory_space<hbm>> -> memref<64x128xf32, #tpu.memory_space<hbm>>
    %dma_wait3A_272 = arith.constant 192 : i32
    %dma_wait3A_273 = arith.constant 0 : i32
    %dma_wait3A_274 = tpu.memref_slice %arg6[%dma_wait3A_272, %dma_wait3A_273] : memref<512x128xf32, #tpu.memory_space<vmem>> -> memref<64x128xf32, #tpu.memory_space<vmem>>
    tpu.wait_dma2 semaphore(%arg9 : memref<!tpu.dma_semaphore, #tpu.memory_space<semaphore_mem>>) src(%dma_wait3A_274 : memref<64x128xf32, #tpu.memory_space<vmem>>) dst(%dma_wait3A_271 : memref<64x128xf32, #tpu.memory_space<hbm>>)
    %dma_wait3A_275 = arith.constant 256 : i32
    %dma_wait3A_276 = arith.constant 0 : i32
    %dma_wait3A_277 = tpu.memref_slice %arg6[%dma_wait3A_275, %dma_wait3A_276] : memref<512x128xf32, #tpu.memory_space<vmem>> -> memref<64x128xf32, #tpu.memory_space<vmem>>
    %dma_wait3A_278 = arith.constant 0 : i32
    %dma_wait3A_279 = tpu.memref_slice %arg4[%add3A_164, %dma_wait3A_278] : memref<16384x128xf32, #tpu.memory_space<hbm>> -> memref<64x128xf32, #tpu.memory_space<hbm>>
    %dma_wait3A_280 = arith.constant 0 : i32
    %dma_wait3A_281 = tpu.memref_slice %arg4[%add3A_164, %dma_wait3A_280] : memref<16384x128xf32, #tpu.memory_space<hbm>> -> memref<64x128xf32, #tpu.memory_space<hbm>>
    %dma_wait3A_282 = arith.constant 256 : i32
    %dma_wait3A_283 = arith.constant 0 : i32
    %dma_wait3A_284 = tpu.memref_slice %arg6[%dma_wait3A_282, %dma_wait3A_283] : memref<512x128xf32, #tpu.memory_space<vmem>> -> memref<64x128xf32, #tpu.memory_space<vmem>>
    tpu.wait_dma2 semaphore(%arg9 : memref<!tpu.dma_semaphore, #tpu.memory_space<semaphore_mem>>) src(%dma_wait3A_284 : memref<64x128xf32, #tpu.memory_space<vmem>>) dst(%dma_wait3A_281 : memref<64x128xf32, #tpu.memory_space<hbm>>)
    %dma_wait3A_285 = arith.constant 320 : i32
    %dma_wait3A_286 = arith.constant 0 : i32
    %dma_wait3A_287 = tpu.memref_slice %arg6[%dma_wait3A_285, %dma_wait3A_286] : memref<512x128xf32, #tpu.memory_space<vmem>> -> memref<64x128xf32, #tpu.memory_space<vmem>>
    %dma_wait3A_288 = arith.constant 0 : i32
    %dma_wait3A_289 = tpu.memref_slice %arg4[%add3A_184, %dma_wait3A_288] : memref<16384x128xf32, #tpu.memory_space<hbm>> -> memref<64x128xf32, #tpu.memory_space<hbm>>
    %dma_wait3A_290 = arith.constant 0 : i32
    %dma_wait3A_291 = tpu.memref_slice %arg4[%add3A_184, %dma_wait3A_290] : memref<16384x128xf32, #tpu.memory_space<hbm>> -> memref<64x128xf32, #tpu.memory_space<hbm>>
    %dma_wait3A_292 = arith.constant 320 : i32
    %dma_wait3A_293 = arith.constant 0 : i32
    %dma_wait3A_294 = tpu.memref_slice %arg6[%dma_wait3A_292, %dma_wait3A_293] : memref<512x128xf32, #tpu.memory_space<vmem>> -> memref<64x128xf32, #tpu.memory_space<vmem>>
    tpu.wait_dma2 semaphore(%arg9 : memref<!tpu.dma_semaphore, #tpu.memory_space<semaphore_mem>>) src(%dma_wait3A_294 : memref<64x128xf32, #tpu.memory_space<vmem>>) dst(%dma_wait3A_291 : memref<64x128xf32, #tpu.memory_space<hbm>>)
    %dma_wait3A_295 = arith.constant 384 : i32
    %dma_wait3A_296 = arith.constant 0 : i32
    %dma_wait3A_297 = tpu.memref_slice %arg6[%dma_wait3A_295, %dma_wait3A_296] : memref<512x128xf32, #tpu.memory_space<vmem>> -> memref<64x128xf32, #tpu.memory_space<vmem>>
    %dma_wait3A_298 = arith.constant 0 : i32
    %dma_wait3A_299 = tpu.memref_slice %arg4[%add3A_204, %dma_wait3A_298] : memref<16384x128xf32, #tpu.memory_space<hbm>> -> memref<64x128xf32, #tpu.memory_space<hbm>>
    %dma_wait3A_300 = arith.constant 0 : i32
    %dma_wait3A_301 = tpu.memref_slice %arg4[%add3A_204, %dma_wait3A_300] : memref<16384x128xf32, #tpu.memory_space<hbm>> -> memref<64x128xf32, #tpu.memory_space<hbm>>
    %dma_wait3A_302 = arith.constant 384 : i32
    %dma_wait3A_303 = arith.constant 0 : i32
    %dma_wait3A_304 = tpu.memref_slice %arg6[%dma_wait3A_302, %dma_wait3A_303] : memref<512x128xf32, #tpu.memory_space<vmem>> -> memref<64x128xf32, #tpu.memory_space<vmem>>
    tpu.wait_dma2 semaphore(%arg9 : memref<!tpu.dma_semaphore, #tpu.memory_space<semaphore_mem>>) src(%dma_wait3A_304 : memref<64x128xf32, #tpu.memory_space<vmem>>) dst(%dma_wait3A_301 : memref<64x128xf32, #tpu.memory_space<hbm>>)
    %dma_wait3A_305 = arith.constant 448 : i32
    %dma_wait3A_306 = arith.constant 0 : i32
    %dma_wait3A_307 = tpu.memref_slice %arg6[%dma_wait3A_305, %dma_wait3A_306] : memref<512x128xf32, #tpu.memory_space<vmem>> -> memref<64x128xf32, #tpu.memory_space<vmem>>
    %dma_wait3A_308 = arith.constant 0 : i32
    %dma_wait3A_309 = tpu.memref_slice %arg4[%add3A_224, %dma_wait3A_308] : memref<16384x128xf32, #tpu.memory_space<hbm>> -> memref<64x128xf32, #tpu.memory_space<hbm>>
    %dma_wait3A_310 = arith.constant 0 : i32
    %dma_wait3A_311 = tpu.memref_slice %arg4[%add3A_224, %dma_wait3A_310] : memref<16384x128xf32, #tpu.memory_space<hbm>> -> memref<64x128xf32, #tpu.memory_space<hbm>>
    %dma_wait3A_312 = arith.constant 448 : i32
    %dma_wait3A_313 = arith.constant 0 : i32
    %dma_wait3A_314 = tpu.memref_slice %arg6[%dma_wait3A_312, %dma_wait3A_313] : memref<512x128xf32, #tpu.memory_space<vmem>> -> memref<64x128xf32, #tpu.memory_space<vmem>>
    tpu.wait_dma2 semaphore(%arg9 : memref<!tpu.dma_semaphore, #tpu.memory_space<semaphore_mem>>) src(%dma_wait3A_314 : memref<64x128xf32, #tpu.memory_space<vmem>>) dst(%dma_wait3A_311 : memref<64x128xf32, #tpu.memory_space<hbm>>)
    return
  }
}

</mosaic_0001>

<sc_bundles>
// kernel: kernel.3.cloned.1.call-start
scs
__scs_entry_jumppad:
0x0: {  	(pc) =	sbr.rel $0x88, $3  }
0x1: {  	(tag) =	ssettag $0x0;
	lr =	simm.s32 $0x1  }
0x2: {  	[smem:$0x3F9F] =	sst lr;
	_ =	strace $0xD0000000  }
0x3: {  	_ = 	snop  }
0x4: {  	_ = 	snop  }
0x5: {  	_ = 	snop  }
0x6: {  	_ = 	snop  }
0x7: {  	_ = 	snop  }
__scs_overlays_trampoline_lowered:
0x8: {  	[smem:$0x3FAE] =	sst s0  }
0x9: {  	[smem:$0x3FAF] =	sst s1  }
0xa: {  	[smem:$0x3FB0] =	sst s2  }
0xb: {  	[smem:$0x3FB1] =	sst s3  }
0xc: {  	[smem:$0x3FB2] =	sst s4  }
0xd: {  	[smem:$0x3FB3] =	sst s5  }
0xe: {  	[smem:$0x3FB4] =	sst s6  }
0xf: {  	[smem:$0x3FB5] =	sst s7  }
0x10: {  	[smem:$0x3FB6] =	sst s8  }
0x11: {  	[smem:$0x3FB7] =	sst s9;
	s0 =	simm.s32 @!p0 $0x0  }
0x12: {  	s1 =	sld [smem:$0x3F9D];
	s0 =	simm.s32 @p0 $0x1  }
0x13: {  	[smem:$0x3FB8] =	sst s0;
	s0 =	simm.s32 @!p1 $0x0  }
0x14: {  	s2 =	sld [smem:$0x3F9C];
	s0 =	simm.s32 @p1 $0x1  }
0x15: {  	[smem:$0x3FB9] =	sst s0;
	s0 =	simm.s32 @!p2 $0x0  }
0x16: {  	s3 =	sld [smem:$0x3FDB];
	s0 =	simm.s32 @p2 $0x1  }
0x17: {  	s4 =	simm.s32 $0x1BF5;
	[smem:$0x3FBB] =	sst s0  }
0x18: {  	s0 =	sld [smem:$0x3F9E];
	_ =	swait.ge [sflag:s4], $0x0  }
0x19: {  	s7 =	sld [smem:$0x3F9F]  }
0x1a: {  	s8 =	sadd.s32 $0xFFFFE003, lr  }
0x1b: {  	s9 =	sadd.s32 $0xFFFFFEF7, lr;
	s5 =	simm.s32 $0xFFFFFFFF;
	p2 =	slt.u32 s8, $0xFFFFF086  }
0x1c: {  	p1 =	slt.u32 s9, $0xF7A;
	s5 =	simm.s32 @!p2 $0x0  }
0x1d: {  	s5 =	simm.s32 @p1 $0x1;
	p0 =	seq.s32 s7, s2  }
0x1e: {  	s7 =	smul.u32 @!p0 $0xF7A, s2;
	p2 =	seq.s32 @!p0 s5, $0x0  }
0x1f: {  	s9 =	smul.u32 $0xF7A, s1;
	s8 =	simm.s32 @!p0 $0x1BF5;
	p2 =	por !p2, p0  }
0x20: {  	[sflag:s8] =	ssyncset.s32 @!p0 $0xFFFFF086;
	s6 =	sadd.s32 @!p0 s3, s7;
	s7 =	simm.s32 @!p0 $0x108  }
0x21: {  	s3 =	sadd.s32 s3, s9;
	s6 =	sadd.s32 @!p0 $0x88, s6;
	s7 =	simm.s32 @p2 $0x1082  }
0x22: {  	[simem:s7], [sflag:s8] =	dma.local @!p0 [hbm:s6], $0xF7A  }
0x23: {  	s9 =	sor.u32 $0xD0000000, s2;
	s6 =	simm.s32 $0x108;
	_ =	swait.ge @!p0 [sflag:s8], $0x0  }
0x24: {  	s3 =	sadd.s32 $0x88, s3;
	s6 =	simm.s32 @!p1 $0x1082;
	[sflag:s4] =	ssyncset.s32 $0xFFFFF086  }
0x25: {  	[simem:s6], [sflag:s4] =	dma.local [hbm:s3], $0xF7A  }
0x26: {  	[smem:$0x3F9F] =	sst s1;
	(tag) =	ssettag s2;
	_ =	strace s9  }
0x27: {  	s1 =	sld [smem:$0x3FAF]  }
0x28: {  	s2 =	sld [smem:$0x3FB0]  }
0x29: {  	s4 =	sld [smem:$0x3FB2]  }
0x2a: {  	p0 =	seq.s32 s5, $0x0;
	s5 =	sld [smem:$0x3FB3]  }
0x2b: {  	s6 =	sld [smem:$0x3FB4]  }
0x2c: {  	s7 =	sld [smem:$0x3FB5]  }
0x2d: {  	s3 =	simm.s32 $0x108;
	s8 =	sld [smem:$0x3FB6]  }
0x2e: {  	s3 =	simm.s32 @!p0 $0x1082;
	s9 =	sld [smem:$0x3FB7]  }
0x2f: {  	lr =	sadd.s32 s0, s3;
	s0 =	sld [smem:$0x3FAE]  }
0x30: {  	s3 =	sld [smem:$0x3FB1]  }
0x31: {  	[smem:$0x3FBA] =	sst s10  }
0x32: {  	s10 =	sld [smem:$0x3FB8];
	_ =	sdelay $0x3  }
0x33: {  	p0 =	seq.s32 s10, $0x1;
	s10 =	sld [smem:$0x3FBA];
	_ =	sdelay $0x3  }
0x34: {  	[smem:$0x3FBA] =	sst s10  }
0x35: {  	s10 =	sld [smem:$0x3FB9];
	_ =	sdelay $0x3  }
0x36: {  	p1 =	seq.s32 s10, $0x1;
	s10 =	sld [smem:$0x3FBA];
	_ =	sdelay $0x3  }
0x37: {  	[smem:$0x3FBA] =	sst s10  }
0x38: {  	s10 =	sld [smem:$0x3FBB]  }
0x39: {  	_ = 	snop;
	(pc) =	sbr.ind lr, $3  }
0x3a: {  	_ = 	snop  }
0x3b: {  	_ = 	snop  }
0x3c: {  	p2 =	seq.s32 s10, $0x1;
	s10 =	sld [smem:$0x3FBA]  }
0x3d: {  	_ =	shalt  }
0x3e: {  	_ =	shalt  }
0x3f: {  	_ =	shalt  }
0x40: {  	_ =	shalt  }
0x41: {  	_ =	shalt  }
0x42: {  	_ =	shalt  }
0x43: {  	_ =	shalt  }
0x44: {  	_ =	shalt  }
0x45: {  	_ =	shalt  }
0x46: {  	_ =	shalt  }
0x47: {  	_ =	shalt  }
0x48: {  	_ =	shalt  }
0x49: {  	_ =	shalt  }
0x4a: {  	_ =	shalt  }
0x4b: {  	_ =	shalt  }
0x4c: {  	_ =	shalt  }
0x4d: {  	_ =	shalt  }
0x4e: {  	_ =	shalt  }
0x4f: {  	_ =	shalt  }
0x50: {  	_ =	shalt  }
0x51: {  	_ =	shalt  }
0x52: {  	_ =	shalt  }
0x53: {  	_ =	shalt  }
0x54: {  	_ =	shalt  }
0x55: {  	_ =	shalt  }
0x56: {  	_ =	shalt  }
0x57: {  	_ =	shalt  }
0x58: {  	_ =	shalt  }
0x59: {  	_ =	shalt  }
0x5a: {  	_ =	shalt  }
0x5b: {  	_ =	shalt  }
0x5c: {  	_ =	shalt  }
0x5d: {  	_ =	shalt  }
0x5e: {  	_ =	shalt  }
0x5f: {  	_ =	shalt  }
0x60: {  	_ =	shalt  }
0x61: {  	_ =	shalt  }
0x62: {  	_ =	shalt  }
0x63: {  	_ =	shalt  }
0x64: {  	_ =	shalt  }
0x65: {  	_ =	shalt  }
0x66: {  	_ =	shalt  }
0x67: {  	_ =	shalt  }
0x68: {  	_ =	shalt  }
0x69: {  	_ =	shalt  }
0x6a: {  	_ =	shalt  }
0x6b: {  	_ =	shalt  }
0x6c: {  	_ =	shalt  }
0x6d: {  	_ =	shalt  }
0x6e: {  	_ =	shalt  }
0x6f: {  	_ =	shalt  }
0x70: {  	_ =	shalt  }
0x71: {  	_ =	shalt  }
0x72: {  	_ =	shalt  }
0x73: {  	_ =	shalt  }
0x74: {  	_ =	shalt  }
0x75: {  	_ =	shalt  }
0x76: {  	_ =	shalt  }
0x77: {  	_ =	shalt  }
0x78: {  	_ =	shalt  }
0x79: {  	_ =	shalt  }
0x7a: {  	_ =	shalt  }
0x7b: {  	_ =	shalt  }
0x7c: {  	_ =	shalt  }
0x7d: {  	_ =	shalt  }
0x7e: {  	_ =	shalt  }
0x7f: {  	_ =	shalt  }
0x80: {  	_ =	shalt  }
0x81: {  	_ =	shalt  }
0x82: {  	_ =	shalt  }
0x83: {  	_ =	shalt  }
0x84: {  	_ =	shalt  }
0x85: {  	_ =	shalt  }
0x86: {  	_ =	shalt  }
0x87: {  	_ =	shalt  }
.Lfunc_end0:
.L_simem_size_0:
called_computation_lowered:
.L_overlay_start_0:
0x88: {  	s2 =	sld [smem:$0x3FD9]  }
0x89: {  	s3 =	sld [smem:$0x3FFE];
	_ =	sdelay $0x1  }
0x8a: {  	s1 =	srdreg.scid  }
0x8b: {  	s0 =	sand.u32 $0x1, s1  }
0x8c: {  	s18 =	sshll.u32 s0, $0xA;
	s2 =	sadd.s32 s3, s2  }
0x8d: {  	s2 =	sadd.s32 s2, s18  }
0x8e: {  	[smem:$0x3FC6] =	sst s2  }
0x8f: {  	_ = 	snop  }
0x90: {  	s2 =	sld [smem:$0x3FC9]  }
0x91: {  	s19 =	sld [smem:$0x3FC8]  }
0x92: {  	s4 =	sld [smem:$0x3FD0];
	(tm) =	ssettm $0x1  }
0x93: {  	s5 =	sld [smem:$0x3FFB];
	_ =	sdelay $0x3  }
0x94: {  	_ =	strace s5  }
0x95: {  	s5 =	sld [smem:$0x3FFC];
	_ =	sdelay $0x3  }
0x96: {  	_ =	strace s5  }
0x97: {  	s5 =	sld [smem:$0x3FFD];
	_ =	sdelay $0x3  }
0x98: {  	_ =	strace s5  }
0x99: {  	_ =	strace $0x8FFFFFFF  }
0x9a: {  	s20 =	sld [smem:$0x3FDB];
	_ =	sdelay $0x1  }
0x9b: {  	s6 =	simm.s32 $_scs_section_size  }
0x9c: {  	s7 =	simm.s32 $_size__tile_overlayer_lowered;
	s8 =	simm.s32 $_tile_overlayer_lowered  }
0x9d: {  	s23 =	simm.s32 $0x1BFF;
	s22 =	sshll.u32 s8, $0x1;
	s5 =	sadd.s32 s6, s20  }
0x9e: {  	s9 =	simm.s32 $0x0;
	s21 =	sshll.u32 s7, $0x1;
	s7 =	sadd.s32 s22, s5  }
0x9f: {  	[timem:s9], [sflag:s23] =	dma.local [hbm:s7], s21  }
0xa0: {  	_ =	swait.ge [sflag:s23], s21  }
0xa1: {  	s6 =	ssub.s32 $0x0, s21;
	[sflag:s23] =	ssyncset.done $0x0  }
0xa2: {  	[sflag:s23] =	ssyncadd.s32 s6;
	_ =	sdelay $0x1  }
0xa3: {  	s24 =	simm.s32 $0x1B8B  }
0xa4: {  	_ =	swait.ge [sflag:s24], $0x1  }
0xa5: {  	[sflag:s24] =	ssyncset.done $0x0  }
0xa6: {  	s25 =	simm.s32 $0x1B8E;
	[sflag:s24] =	ssyncadd.s32 $0xFFFFFFFF  }
0xa7: {  	s26 =	simm.s32 $execute0_lowered;
	[smem:$0x3FD2] =	sst s25  }
0xa8: {  	s6 =	sshll.u32 s26, $0x1;
	_ =	strace $0x80000046;
	[dreg:$0x1] =	wrdreg $0xFFFFFFFF  }
0xa9: {  	s28 =	simm.s32 $_size_execute0_lowered;
	s5 =	sadd.s32 s5, s6;
	[dreg:$0x0] =	wrdreg $0x0  }
0xaa: {  	s6 =	sshll.u32 s28, $0x1;
	[dreg:$0x2] =	wrdreg s5  }
0xab: {  	[dreg:$0x3] =	wrdreg s6  }
0xac: {  	[dreg:$0x4] =	wrdreg $0xC0  }
0xad: {  	_ =	task [dreg:s9], $0x5FFFF  }
0xae: {  	[dreg:$0x1] =	wrdreg $0xFFFFFFFF  }
0xaf: {  	[dreg:$0x0] =	wrdreg $0x60  }
0xb0: {  	[dreg:$0x2] =	wrdreg s19  }
0xb1: {  	[dreg:$0x3] =	wrdreg s2  }
0xb2: {  	[dreg:$0x4] =	wrdreg s4  }
0xb3: {  	[dreg:$0x5] =	wrdreg $0x102000  }
0xb4: {  	[dreg:$0x6] =	wrdreg $0x9  }
0xb5: {  	_ =	task.clear_ibuf [dreg:s9], $0x7FFFF;
	_ =	strace $0x90000046  }
0xb6: {  	s29 =	simm.s32 $0x9;
	_ =	strace $0x80000048  }
0xb7: {  	_ =	swait.ge [sflag:s29], $0x1  }
0xb8: {  	[sflag:s29] =	ssyncadd.s32 $0xFFFFFFFF  }
0xb9: {  	_ =	strace $0x90000048  }
0xba: {  	_ =	sfence  }
0xbb: {  	s30 =	sld [smem:$0x0];
	_ =	sdelay $0x2  }
0xbc: {  	s31 =	sshll.u32 s1, $0xD;
	s1 =	sshrl.u32 s1, $0x2  }
0xbd: {  	s3 =	sand.u32 $0x4000, s31;
	s1 =	sadd.s32 s1, s30  }
0xbe: {  	s0 =	sor.u32 s3, s0;
	s1 =	sshll.u32 s1, $0x11  }
0xbf: {  	s0 =	sor.u32 s1, s0  }
0xc0: {  	s0 =	sadd.s32 $0x8F2B, s0  }
0xc1: {  	[sflag:s0] =	ssyncadd.remote.s32 $0x1  }
0xc2: {  	_ =	sfence.sel $0xFFFF  }
0xc3: {  	[dreg:$0x0] =	wrdreg $0xFFFFFFFF;
	(pc) =	sbr.abs _section_cstart, $3  }
0xc4: {  	[dreg:$0x1] =	wrdreg $0xFFFFFFFF  }
0xc5: {  	_ =	task.clear_ibuf [dreg:s9], $0x2FFFF;
	_ =	strace $0x9FFFFFFF  }
0xc6: {  	(tm) =	ssettm $0x7FFFFFFF  }
0xc7: {  	_ =	shalt  }
tec
execute0_lowered:
.L_overlay_start_1:
0x0: {  	(tag) =	ssettag $0x1  }
0x1: {  	s0 =	rddreg [dreg:$0x0]  }
0x2: {  	s1 =	rddreg [dreg:$0x1]  }
0x3: {  	s4 =	rddreg [dreg:$0x2]  }
0x4: {  	s2 =	srdreg.scid;
	s3 =	rddreg [dreg:$0x3]  }
0x5: {  	s19 =	stileid.u32;
	s29 =	rddreg [dreg:$0x4]  }
0x6: {  	s16 =	simm.s32 $0x200;
	s15 =	simm.s32 $0x2200;
	s14 =	simm.s32 $0x4200  }
0x7: {  	s13 =	simm.s32 $0x6200;
	s12 =	simm.s32 $0x8200;
	s10 =	simm.s32 $0xA200  }
0x8: {  	s30 =	simm.s32 $0x1C0;
	p2 =	por $0x0, $0x0;
	s9 =	simm.s32 $0xE200  }
0x9: {  	s11 =	simm.s32 $0x1;
	s5 =	sand.u32 $0x1, s2;
	s6 =	sshll.u32 s19, $0xA  }
0xa: {  	s2 =	simm.s32 $0x0;
	s17 =	sadd.s32 $0x3800, s0;
	s18 =	sshll.u32 s19, $0xB  }
0xb: {  	s24 =	sshll.u32 s19, $0xE;
	p0 =	sgt.u32 s19, $0x6;
	s7 =	sshll.u32 s5, $0x9  }
0xc: {  	[smem:$0x7FF] =	sst s2;
	s5 =	ssub.s32 $0x2, s5;
	s0 =	sadd.s32 s0, s18  }
0xd: {  	s8 =	sadd.s32 s24, s3;
	p1 =	sne.s32 @p0 s19, $0x7;
	s18 =	simm.s32 $0x3  }
0xe: {  	s6 =	sor.u32 s7, s6;
	_ =	strace $0x80000047;
	[dreg:$0x6] =	wrdreg s17  }
0xf: {  	s20 =	sshrl.u32 s5, $0x1;
	[dreg:$0x7] =	wrdreg s0;
	p1 =	por p1, !p0  }
0x10: {  	s17 =	simm.s32 $0x40;
	s7 =	sshrl.u32 s6, $0x3;
	s6 =	sshll.u32 s6, $0x4  }
0x11: {  	s1 =	sadd.s32 s1, s7;
	s7 =	sadd.s32 s4, s6;
	s6 =	sadd.s32 $0x1C000, s3  }
0x12: {  	[dreg:$0x5] =	wrdreg s1;
	s21 =	sadd.s32 $0x400, s7;
	s1 =	ssub.s32 s5, s20  }
0x13: {  	s22 =	sadd.s32 $0x800, s7;
	s23 =	sadd.s32 $0xC00, s7;
	s25 =	sadd.s32 $0x1000, s7  }
0x14: {  	s26 =	sadd.s32 $0x1400, s7;
	s31 =	smax.u32 s1, $0x1;
	s1 =	sshll.u32 @!p0 s19, $0x6  }
0x15: {  	[dreg:$0x8] =	wrdreg s21;
	s24 =	sor.u32 @!p0 $0x1C04, s1;
	s1 =	sadd.s32 $0xFFFFFFFF, s31  }
0x16: {  	s5 =	sadd.s32 $0x1800, s7;
	[dreg:$0x9] =	wrdreg s22;
	p3 =	sne.s32 s1, $0x0  }
.Ltmp0:
0x17: {  	s4 =	sadd.s32 $0x1C00, s7;
	[dreg:$0xa] =	wrdreg s23;
	(pc) =	sbr.rel @!p3 .LBB2_5-.Ltmp0, $4  }
0x18: {  	s28 =	sshrl.u32 @!p1 s6, $0x3;
	s20 =	simm.s32 $0x80;
	[dreg:$0xb] =	wrdreg s25  }
0x19: {  	s6 =	simm.s32 $0x2;
	[dreg:$0xc] =	wrdreg s26;
	s26 =	sshrl.u32 @!p0 s8, $0x3  }
0x1a: {  	s21 =	simm.s32 $0xC0;
	s22 =	simm.s32 $0x100;
	s23 =	simm.s32 $0x140  }
0x1b: {  	s25 =	simm.s32 $0x180;
	s8 =	simm.s32 $0xC200;
	s0 =	rddreg [dreg:$0x5]  }
0x1c: {  	s31 =	rddreg [dreg:$0x6];
	s19 =	simm.s32 @!p1 $0x1DC4;
	s30 =	simm.s32 @!p1 $0x4  }
0x1d: {  	[tilespmem:s2], [sflag:$0x3] =	stream.linear.gather [hbm4b:s0+s2], $0x200, $0x38;
	[tilespmem:$0x12140] =	vst v63  }
0x1e: {  	[spmem:s28], [sflag:s19] =	dma.local @!p1 [hbm:s31], $0x680  }
0x1f: {  	_ =	swait.ge @!p1 [sflag:s30], $0x680  }
0x20: {  	[sflag:s30] =	ssyncset.done @!p1 $0x0  }
0x21: {  	s31 =	simm.s32 @!p0 $0x4;
	s0 =	rddreg [dreg:$0x7];
	[sflag:s30] =	ssyncadd.s32 @!p1 $0xFFFFF980  }
0x22: {  	[spmem:s26], [sflag:s24] =	dma.local @!p0 [hbm:s0], $0x800  }
0x23: {  	_ =	swait.ge @!p0 [sflag:s31], $0x800  }
0x24: {  	[sflag:s31] =	ssyncset.done @!p0 $0x0  }
0x25: {  	[sflag:s31] =	ssyncadd.s32 @!p0 $0xFFFFF800  }
0x26: {  	_ =	swait.ge [sflag:s18], $0x200  }
0x27: {  	[sflag:s18] =	ssyncset.done $0x0  }
0x28: {  	[sflag:s18] =	ssyncadd.s32 $0xFFFFFE00  }
0x29: {  	[bflag:$0x0] =	sbarrier.arrive $0xFFFF  }
0x2a: {  	[tilespmem:s16], [sflag:$0x1] =	stream.indirect.gather [spmem:s3], $0x80, s2, s17, $0xb8;
	[tilespmem:$0x12140] =	vst v63  }
0x2b: {  	_ = 	snop  }
0x2c: {  	[tilespmem:s15], [sflag:$0x1] =	stream.indirect.gather [spmem:s3], $0x80, s17, s17, $0xb8;
	[tilespmem:$0x12140] =	vst v63  }
0x2d: {  	s22 =	simm.s32 $0x80  }
0x2e: {  	[tilespmem:s14], [sflag:$0x1] =	stream.indirect.gather [spmem:s3], $0x80, s22, s17, $0xb8;
	[tilespmem:$0x12140] =	vst v63  }
0x2f: {  	s23 =	simm.s32 $0xC0  }
0x30: {  	[tilespmem:s13], [sflag:$0x1] =	stream.indirect.gather [spmem:s3], $0x80, s23, s17, $0xb8;
	[tilespmem:$0x12140] =	vst v63  }
0x31: {  	s25 =	simm.s32 $0x100  }
0x32: {  	[tilespmem:s12], [sflag:$0x1] =	stream.indirect.gather [spmem:s3], $0x80, s25, s17, $0xb8;
	[tilespmem:$0x12140] =	vst v63  }
0x33: {  	s29 =	simm.s32 $0x140  }
0x34: {  	[tilespmem:s10], [sflag:$0x1] =	stream.indirect.gather [spmem:s3], $0x80, s29, s17, $0xb8;
	[tilespmem:$0x12140] =	vst v63  }
0x35: {  	s20 =	simm.s32 $0x180  }
0x36: {  	[tilespmem:s8], [sflag:$0x1] =	stream.indirect.gather [spmem:s3], $0x80, s20, s17, $0xb8;
	[tilespmem:$0x12140] =	vst v63  }
0x37: {  	s19 =	simm.s32 $0x1C0  }
0x38: {  	[tilespmem:s9], [sflag:$0x1] =	stream.indirect.gather [spmem:s3], $0x80, s19, s17, $0xb8;
	[tilespmem:$0x12140] =	vst v63  }
0x39: {  	_ =	swait.ge [sflag:s11], $0x2000  }
0x3a: {  	[sflag:s11] =	ssyncset.done $0x0  }
0x3b: {  	[sflag:s11] =	ssyncadd.s32 $0xFFFFE000  }
0x3c: {  	[hbm4b:s7+s2] =	stream.linear.scatter [tilespmem:s16], [sflag:$0x2], $0x2000, $0x38;
	[tilespmem:$0x12140] =	vst v63  }
0x3d: {  	_ =	swait.ge [sflag:s11], $0x2000  }
0x3e: {  	[sflag:s11] =	ssyncset.done $0x0  }
0x3f: {  	s19 =	rddreg [dreg:$0x8];
	[sflag:s11] =	ssyncadd.s32 $0xFFFFE000  }
0x40: {  	[hbm4b:s19+s2] =	stream.linear.scatter [tilespmem:s15], [sflag:$0x2], $0x2000, $0x38;
	[tilespmem:$0x12140] =	vst v63  }
0x41: {  	_ =	swait.ge [sflag:s11], $0x2000  }
0x42: {  	[sflag:s11] =	ssyncset.done $0x0  }
0x43: {  	s19 =	rddreg [dreg:$0x9];
	[sflag:s11] =	ssyncadd.s32 $0xFFFFE000  }
0x44: {  	[hbm4b:s19+s2] =	stream.linear.scatter [tilespmem:s14], [sflag:$0x2], $0x2000, $0x38;
	[tilespmem:$0x12140] =	vst v63  }
0x45: {  	_ =	swait.ge [sflag:s11], $0x2000  }
0x46: {  	[sflag:s11] =	ssyncset.done $0x0  }
0x47: {  	s19 =	rddreg [dreg:$0xa];
	[sflag:s11] =	ssyncadd.s32 $0xFFFFE000  }
0x48: {  	[hbm4b:s19+s2] =	stream.linear.scatter [tilespmem:s13], [sflag:$0x2], $0x2000, $0x38;
	[tilespmem:$0x12140] =	vst v63  }
0x49: {  	_ =	swait.ge [sflag:s11], $0x2000  }
0x4a: {  	[sflag:s11] =	ssyncset.done $0x0  }
0x4b: {  	s19 =	rddreg [dreg:$0xb];
	[sflag:s11] =	ssyncadd.s32 $0xFFFFE000  }
0x4c: {  	[hbm4b:s19+s2] =	stream.linear.scatter [tilespmem:s12], [sflag:$0x2], $0x2000, $0x38;
	[tilespmem:$0x12140] =	vst v63  }
0x4d: {  	_ =	swait.ge [sflag:s11], $0x2000  }
0x4e: {  	[sflag:s11] =	ssyncset.done $0x0  }
0x4f: {  	s19 =	rddreg [dreg:$0xc];
	[sflag:s11] =	ssyncadd.s32 $0xFFFFE000  }
0x50: {  	[hbm4b:s19+s2] =	stream.linear.scatter [tilespmem:s10], [sflag:$0x2], $0x2000, $0x38;
	[tilespmem:$0x12140] =	vst v63  }
0x51: {  	_ =	swait.ge [sflag:s11], $0x2000  }
0x52: {  	[sflag:s11] =	ssyncset.done $0x0  }
0x53: {  	[sflag:s11] =	ssyncadd.s32 $0xFFFFE000  }
0x54: {  	[hbm4b:s5+s2] =	stream.linear.scatter [tilespmem:s8], [sflag:$0x2], $0x2000, $0x38;
	[tilespmem:$0x12140] =	vst v63  }
0x55: {  	_ =	swait.ge [sflag:s11], $0x2000  }
0x56: {  	[sflag:s11] =	ssyncset.done $0x0  }
0x57: {  	[sflag:s11] =	ssyncadd.s32 $0xFFFFE000  }
0x58: {  	[hbm4b:s4+s2] =	stream.linear.scatter [tilespmem:s9], [sflag:$0x2], $0x2000, $0x38;
	[tilespmem:$0x12140] =	vst v63  }
0x59: {  	_ =	swait.ge [sflag:s6], $0x2000  }
0x5a: {  	[sflag:s6] =	ssyncset.done $0x0  }
0x5b: {  	[sflag:s6] =	ssyncadd.s32 $0xFFFFE000  }
0x5c: {  	_ =	swait.ge [sflag:s6], $0x2000  }
0x5d: {  	[sflag:s6] =	ssyncset.done $0x0  }
0x5e: {  	[sflag:s6] =	ssyncadd.s32 $0xFFFFE000  }
0x5f: {  	_ =	swait.ge [sflag:s6], $0x2000  }
0x60: {  	[sflag:s6] =	ssyncset.done $0x0  }
0x61: {  	[sflag:s6] =	ssyncadd.s32 $0xFFFFE000  }
0x62: {  	_ =	swait.ge [sflag:s6], $0x2000  }
0x63: {  	[sflag:s6] =	ssyncset.done $0x0  }
0x64: {  	[sflag:s6] =	ssyncadd.s32 $0xFFFFE000  }
0x65: {  	_ =	swait.ge [sflag:s6], $0x2000  }
0x66: {  	[sflag:s6] =	ssyncset.done $0x0  }
0x67: {  	[sflag:s6] =	ssyncadd.s32 $0xFFFFE000  }
0x68: {  	_ =	swait.ge [sflag:s6], $0x2000  }
0x69: {  	s1 =	sadd.s32 $0xFFFFFFFF, s1;
	[sflag:s6] =	ssyncset.done $0x0  }
0x6a: {  	p3 =	sne.s32 s1, $0x0;
	[sflag:s6] =	ssyncadd.s32 $0xFFFFE000  }
.Ltmp1:
0x6b: {  	_ =	swait.ge [sflag:s6], $0x2000;
	(pc) =	sbr.rel @!p3 .LBB2_2-.Ltmp1, $4  }
0x6c: {  	s21 =	simm.s32 $0x80;
	p2 =	por $0x1, $0x1;
	[sflag:s6] =	ssyncset.done $0x0  }
0x6d: {  	s22 =	simm.s32 $0xC0;
	s23 =	simm.s32 $0x100;
	[sflag:s6] =	ssyncadd.s32 $0xFFFFE000  }
0x6e: {  	s25 =	simm.s32 $0x140;
	s29 =	simm.s32 $0x180;
	_ =	swait.ge [sflag:s6], $0x2000  }
0x6f: {  	s20 =	simm.s32 $0x1C0;
	s0 =	rddreg [dreg:$0x5];
	[sflag:s6] =	ssyncset.done $0x0  }
.LBB2_3:
0x70: {  	[sflag:s6] =	ssyncadd.s32 $0xFFFFE000  }
0x71: {  	[tilespmem:s2], [sflag:$0x3] =	stream.linear.gather [hbm4b:s0+s2], $0x200, $0x38;
	[tilespmem:$0x12140] =	vst v63  }
0x72: {  	s19 =	rddreg [dreg:$0x6];
	s0 =	simm.s32 @!p1 $0x1DC4  }
0x73: {  	[spmem:s28], [sflag:s0] =	dma.local @!p1 [hbm:s19], $0x680  }
0x74: {  	_ =	swait.ge @!p1 [sflag:s30], $0x680  }
0x75: {  	[sflag:s30] =	ssyncset.done @!p1 $0x0  }
0x76: {  	s0 =	rddreg [dreg:$0x7];
	[sflag:s30] =	ssyncadd.s32 @!p1 $0xFFFFF980  }
0x77: {  	[spmem:s26], [sflag:s24] =	dma.local @!p0 [hbm:s0], $0x800  }
0x78: {  	_ =	swait.ge @!p0 [sflag:s31], $0x800  }
0x79: {  	[sflag:s31] =	ssyncset.done @!p0 $0x0  }
0x7a: {  	[sflag:s31] =	ssyncadd.s32 @!p0 $0xFFFFF800  }
0x7b: {  	_ =	swait.ge [sflag:s18], $0x200  }
0x7c: {  	[sflag:s18] =	ssyncset.done $0x0  }
0x7d: {  	[sflag:s18] =	ssyncadd.s32 $0xFFFFFE00  }
0x7e: {  	[bflag:$0x0] =	sbarrier.arrive $0xFFFF  }
0x7f: {  	[tilespmem:s16], [sflag:$0x1] =	stream.indirect.gather [spmem:s3], $0x80, s2, s17, $0xb8;
	[tilespmem:$0x12140] =	vst v63  }
0x80: {  	_ = 	snop  }
0x81: {  	[tilespmem:s15], [sflag:$0x1] =	stream.indirect.gather [spmem:s3], $0x80, s17, s17, $0xb8;
	[tilespmem:$0x12140] =	vst v63  }
0x82: {  	_ = 	snop  }
0x83: {  	[tilespmem:s14], [sflag:$0x1] =	stream.indirect.gather [spmem:s3], $0x80, s21, s17, $0xb8;
	[tilespmem:$0x12140] =	vst v63  }
0x84: {  	_ = 	snop  }
0x85: {  	[tilespmem:s13], [sflag:$0x1] =	stream.indirect.gather [spmem:s3], $0x80, s22, s17, $0xb8;
	[tilespmem:$0x12140] =	vst v63  }
0x86: {  	_ = 	snop  }
0x87: {  	[tilespmem:s12], [sflag:$0x1] =	stream.indirect.gather [spmem:s3], $0x80, s23, s17, $0xb8;
	[tilespmem:$0x12140] =	vst v63  }
0x88: {  	_ = 	snop  }
0x89: {  	[tilespmem:s10], [sflag:$0x1] =	stream.indirect.gather [spmem:s3], $0x80, s25, s17, $0xb8;
	[tilespmem:$0x12140] =	vst v63  }
0x8a: {  	_ = 	snop  }
0x8b: {  	[tilespmem:s8], [sflag:$0x1] =	stream.indirect.gather [spmem:s3], $0x80, s29, s17, $0xb8;
	[tilespmem:$0x12140] =	vst v63  }
0x8c: {  	_ = 	snop  }
0x8d: {  	[tilespmem:s9], [sflag:$0x1] =	stream.indirect.gather [spmem:s3], $0x80, s20, s17, $0xb8;
	[tilespmem:$0x12140] =	vst v63  }
0x8e: {  	_ =	swait.ge [sflag:s11], $0x2000  }
0x8f: {  	[sflag:s11] =	ssyncset.done $0x0  }
0x90: {  	[sflag:s11] =	ssyncadd.s32 $0xFFFFE000  }
0x91: {  	[hbm4b:s7+s2] =	stream.linear.scatter [tilespmem:s16], [sflag:$0x2], $0x2000, $0x38;
	[tilespmem:$0x12140] =	vst v63  }
0x92: {  	_ =	swait.ge [sflag:s11], $0x2000  }
0x93: {  	[sflag:s11] =	ssyncset.done $0x0  }
0x94: {  	s19 =	rddreg [dreg:$0x8];
	[sflag:s11] =	ssyncadd.s32 $0xFFFFE000  }
0x95: {  	[hbm4b:s19+s2] =	stream.linear.scatter [tilespmem:s15], [sflag:$0x2], $0x2000, $0x38;
	[tilespmem:$0x12140] =	vst v63  }
0x96: {  	_ =	swait.ge [sflag:s11], $0x2000  }
0x97: {  	[sflag:s11] =	ssyncset.done $0x0  }
0x98: {  	s19 =	rddreg [dreg:$0x9];
	[sflag:s11] =	ssyncadd.s32 $0xFFFFE000  }
0x99: {  	[hbm4b:s19+s2] =	stream.linear.scatter [tilespmem:s14], [sflag:$0x2], $0x2000, $0x38;
	[tilespmem:$0x12140] =	vst v63  }
0x9a: {  	_ =	swait.ge [sflag:s11], $0x2000  }
0x9b: {  	[sflag:s11] =	ssyncset.done $0x0  }
0x9c: {  	s19 =	rddreg [dreg:$0xa];
	[sflag:s11] =	ssyncadd.s32 $0xFFFFE000  }
0x9d: {  	[hbm4b:s19+s2] =	stream.linear.scatter [tilespmem:s13], [sflag:$0x2], $0x2000, $0x38;
	[tilespmem:$0x12140] =	vst v63  }
0x9e: {  	_ =	swait.ge [sflag:s11], $0x2000  }
0x9f: {  	[sflag:s11] =	ssyncset.done $0x0  }
0xa0: {  	s19 =	rddreg [dreg:$0xb];
	[sflag:s11] =	ssyncadd.s32 $0xFFFFE000  }
0xa1: {  	[hbm4b:s19+s2] =	stream.linear.scatter [tilespmem:s12], [sflag:$0x2], $0x2000, $0x38;
	[tilespmem:$0x12140] =	vst v63  }
0xa2: {  	_ =	swait.ge [sflag:s11], $0x2000  }
0xa3: {  	[sflag:s11] =	ssyncset.done $0x0  }
0xa4: {  	s19 =	rddreg [dreg:$0xc];
	[sflag:s11] =	ssyncadd.s32 $0xFFFFE000  }
0xa5: {  	[hbm4b:s19+s2] =	stream.linear.scatter [tilespmem:s10], [sflag:$0x2], $0x2000, $0x38;
	[tilespmem:$0x12140] =	vst v63  }
0xa6: {  	_ =	swait.ge [sflag:s11], $0x2000  }
0xa7: {  	[sflag:s11] =	ssyncset.done $0x0  }
0xa8: {  	[sflag:s11] =	ssyncadd.s32 $0xFFFFE000  }
0xa9: {  	[hbm4b:s5+s2] =	stream.linear.scatter [tilespmem:s8], [sflag:$0x2], $0x2000, $0x38;
	[tilespmem:$0x12140] =	vst v63  }
0xaa: {  	_ =	swait.ge [sflag:s11], $0x2000  }
0xab: {  	[sflag:s11] =	ssyncset.done $0x0  }
0xac: {  	[sflag:s11] =	ssyncadd.s32 $0xFFFFE000  }
0xad: {  	[hbm4b:s4+s2] =	stream.linear.scatter [tilespmem:s9], [sflag:$0x2], $0x2000, $0x38;
	[tilespmem:$0x12140] =	vst v63  }
0xae: {  	_ =	swait.ge [sflag:s6], $0x2000  }
0xaf: {  	[sflag:s6] =	ssyncset.done $0x0  }
0xb0: {  	[sflag:s6] =	ssyncadd.s32 $0xFFFFE000  }
0xb1: {  	_ =	swait.ge [sflag:s6], $0x2000  }
0xb2: {  	[sflag:s6] =	ssyncset.done $0x0  }
0xb3: {  	[sflag:s6] =	ssyncadd.s32 $0xFFFFE000  }
0xb4: {  	_ =	swait.ge [sflag:s6], $0x2000  }
0xb5: {  	[sflag:s6] =	ssyncset.done $0x0  }
0xb6: {  	[sflag:s6] =	ssyncadd.s32 $0xFFFFE000  }
0xb7: {  	_ =	swait.ge [sflag:s6], $0x2000  }
0xb8: {  	[sflag:s6] =	ssyncset.done $0x0  }
0xb9: {  	[sflag:s6] =	ssyncadd.s32 $0xFFFFE000  }
0xba: {  	_ =	swait.ge [sflag:s6], $0x2000  }
0xbb: {  	[sflag:s6] =	ssyncset.done $0x0  }
0xbc: {  	[sflag:s6] =	ssyncadd.s32 $0xFFFFE000  }
0xbd: {  	_ =	swait.ge [sflag:s6], $0x2000  }
0xbe: {  	s1 =	sadd.s32 $0xFFFFFFFF, s1;
	[sflag:s6] =	ssyncset.done $0x0  }
0xbf: {  	p3 =	sne.s32 s1, $0x0;
	[sflag:s6] =	ssyncadd.s32 $0xFFFFE000  }
.Ltmp2:
0xc0: {  	_ =	swait.ge [sflag:s6], $0x2000;
	(pc) =	sbr.rel @p3 .LBB2_3-.Ltmp2, $4  }
0xc1: {  	[sflag:s6] =	ssyncset.done $0x0  }
0xc2: {  	[sflag:s6] =	ssyncadd.s32 $0xFFFFE000  }
0xc3: {  	_ =	swait.ge [sflag:s6], $0x2000  }
0xc4: {  	s0 =	rddreg [dreg:$0x5];
	[sflag:s6] =	ssyncset.done $0x0  }
0xc5: {  	s19 =	stileid.u32;
	s29 =	rddreg [dreg:$0x4]  }
0xc6: {  	s20 =	simm.s32 $0x80;
	s21 =	simm.s32 $0xC0;
	s22 =	simm.s32 $0x100  }
0xc7: {  	s23 =	simm.s32 $0x140;
	s25 =	simm.s32 $0x180;
	s30 =	simm.s32 $0x1C0  }
.LBB2_5:
0xc8: {  	[sflag:s6] =	ssyncadd.s32 @p2 $0xFFFFE000  }
0xc9: {  	[tilespmem:s2], [sflag:$0x3] =	stream.linear.gather [hbm4b:s0+s2], $0x200, $0x38;
	[tilespmem:$0x12140] =	vst v63  }
0xca: {  	s1 =	rddreg [dreg:$0x6];
	s0 =	simm.s32 @!p1 $0x1DC4  }
0xcb: {  	[spmem:s28], [sflag:s0] =	dma.local @!p1 [hbm:s1], $0x680  }
0xcc: {  	s0 =	simm.s32 @!p1 $0x4  }
0xcd: {  	_ =	swait.ge @!p1 [sflag:s0], $0x680  }
0xce: {  	[sflag:s0] =	ssyncset.done @!p1 $0x0  }
0xcf: {  	s1 =	rddreg [dreg:$0x7];
	[sflag:s0] =	ssyncadd.s32 @!p1 $0xFFFFF980;
	s0 =	simm.s32 @!p0 $0x4  }
0xd0: {  	[spmem:s26], [sflag:s24] =	dma.local @!p0 [hbm:s1], $0x800  }
0xd1: {  	_ =	swait.ge @!p0 [sflag:s0], $0x800  }
0xd2: {  	[sflag:s0] =	ssyncset.done @!p0 $0x0  }
0xd3: {  	[sflag:s0] =	ssyncadd.s32 @!p0 $0xFFFFF800  }
0xd4: {  	_ =	swait.ge [sflag:s18], $0x200  }
0xd5: {  	[sflag:s18] =	ssyncset.done $0x0  }
0xd6: {  	[sflag:s18] =	ssyncadd.s32 $0xFFFFFE00  }
0xd7: {  	[bflag:$0x0] =	sbarrier.arrive $0xFFFF  }
0xd8: {  	[tilespmem:s16], [sflag:$0x1] =	stream.indirect.gather [spmem:s3], $0x80, s2, s17, $0xb8;
	[tilespmem:$0x12140] =	vst v63  }
0xd9: {  	_ = 	snop  }
0xda: {  	[tilespmem:s15], [sflag:$0x1] =	stream.indirect.gather [spmem:s3], $0x80, s17, s17, $0xb8;
	[tilespmem:$0x12140] =	vst v63  }
0xdb: {  	_ = 	snop  }
0xdc: {  	[tilespmem:s14], [sflag:$0x1] =	stream.indirect.gather [spmem:s3], $0x80, s20, s17, $0xb8;
	[tilespmem:$0x12140] =	vst v63  }
0xdd: {  	_ = 	snop  }
0xde: {  	[tilespmem:s13], [sflag:$0x1] =	stream.indirect.gather [spmem:s3], $0x80, s21, s17, $0xb8;
	[tilespmem:$0x12140] =	vst v63  }
0xdf: {  	_ = 	snop  }
0xe0: {  	[tilespmem:s12], [sflag:$0x1] =	stream.indirect.gather [spmem:s3], $0x80, s22, s17, $0xb8;
	[tilespmem:$0x12140] =	vst v63  }
0xe1: {  	_ = 	snop  }
0xe2: {  	[tilespmem:s10], [sflag:$0x1] =	stream.indirect.gather [spmem:s3], $0x80, s23, s17, $0xb8;
	[tilespmem:$0x12140] =	vst v63  }
0xe3: {  	_ = 	snop  }
0xe4: {  	[tilespmem:s8], [sflag:$0x1] =	stream.indirect.gather [spmem:s3], $0x80, s25, s17, $0xb8;
	[tilespmem:$0x12140] =	vst v63  }
0xe5: {  	_ = 	snop  }
0xe6: {  	[tilespmem:s9], [sflag:$0x1] =	stream.indirect.gather [spmem:s3], $0x80, s30, s17, $0xb8;
	[tilespmem:$0x12140] =	vst v63  }
0xe7: {  	_ =	swait.ge [sflag:s11], $0x2000  }
0xe8: {  	[sflag:s11] =	ssyncset.done $0x0  }
0xe9: {  	[sflag:s11] =	ssyncadd.s32 $0xFFFFE000  }
0xea: {  	[hbm4b:s7+s2] =	stream.linear.scatter [tilespmem:s16], [sflag:$0x2], $0x2000, $0x38;
	[tilespmem:$0x12140] =	vst v63  }
0xeb: {  	_ =	swait.ge [sflag:s11], $0x2000  }
0xec: {  	[sflag:s11] =	ssyncset.done $0x0  }
0xed: {  	s25 =	rddreg [dreg:$0x8];
	[sflag:s11] =	ssyncadd.s32 $0xFFFFE000  }
0xee: {  	[hbm4b:s25+s2] =	stream.linear.scatter [tilespmem:s15], [sflag:$0x2], $0x2000, $0x38;
	[tilespmem:$0x12140] =	vst v63  }
0xef: {  	_ =	swait.ge [sflag:s11], $0x2000  }
0xf0: {  	[sflag:s11] =	ssyncset.done $0x0  }
0xf1: {  	s26 =	rddreg [dreg:$0x9];
	[sflag:s11] =	ssyncadd.s32 $0xFFFFE000  }
0xf2: {  	[hbm4b:s26+s2] =	stream.linear.scatter [tilespmem:s14], [sflag:$0x2], $0x2000, $0x38;
	[tilespmem:$0x12140] =	vst v63  }
0xf3: {  	_ =	swait.ge [sflag:s11], $0x2000  }
0xf4: {  	[sflag:s11] =	ssyncset.done $0x0  }
0xf5: {  	s28 =	rddreg [dreg:$0xa];
	[sflag:s11] =	ssyncadd.s32 $0xFFFFE000  }
0xf6: {  	[hbm4b:s28+s2] =	stream.linear.scatter [tilespmem:s13], [sflag:$0x2], $0x2000, $0x38;
	[tilespmem:$0x12140] =	vst v63  }
0xf7: {  	_ =	swait.ge [sflag:s11], $0x2000  }
0xf8: {  	[sflag:s11] =	ssyncset.done $0x0  }
0xf9: {  	s30 =	rddreg [dreg:$0xb];
	[sflag:s11] =	ssyncadd.s32 $0xFFFFE000  }
0xfa: {  	[hbm4b:s30+s2] =	stream.linear.scatter [tilespmem:s12], [sflag:$0x2], $0x2000, $0x38;
	[tilespmem:$0x12140] =	vst v63  }
0xfb: {  	_ =	swait.ge [sflag:s11], $0x2000  }
0xfc: {  	[sflag:s11] =	ssyncset.done $0x0  }
0xfd: {  	s31 =	rddreg [dreg:$0xc];
	[sflag:s11] =	ssyncadd.s32 $0xFFFFE000  }
0xfe: {  	[hbm4b:s31+s2] =	stream.linear.scatter [tilespmem:s10], [sflag:$0x2], $0x2000, $0x38;
	[tilespmem:$0x12140] =	vst v63  }
0xff: {  	_ =	swait.ge [sflag:s11], $0x2000  }
0x100: {  	[sflag:s11] =	ssyncset.done $0x0  }
0x101: {  	[sflag:s11] =	ssyncadd.s32 $0xFFFFE000  }
0x102: {  	[hbm4b:s5+s2] =	stream.linear.scatter [tilespmem:s8], [sflag:$0x2], $0x2000, $0x38;
	[tilespmem:$0x12140] =	vst v63  }
0x103: {  	_ =	swait.ge [sflag:s11], $0x2000  }
0x104: {  	[sflag:s11] =	ssyncset.done $0x0  }
0x105: {  	[sflag:s11] =	ssyncadd.s32 $0xFFFFE000  }
0x106: {  	[hbm4b:s4+s2] =	stream.linear.scatter [tilespmem:s9], [sflag:$0x2], $0x2000, $0x38;
	[tilespmem:$0x12140] =	vst v63  }
0x107: {  	_ =	swait.ge [sflag:s6], $0x2000  }
0x108: {  	[sflag:s6] =	ssyncset.done $0x0  }
0x109: {  	[sflag:s6] =	ssyncadd.s32 $0xFFFFE000  }
0x10a: {  	_ =	swait.ge [sflag:s6], $0x2000  }
0x10b: {  	[sflag:s6] =	ssyncset.done $0x0  }
0x10c: {  	[sflag:s6] =	ssyncadd.s32 $0xFFFFE000  }
0x10d: {  	_ =	swait.ge [sflag:s6], $0x2000  }
0x10e: {  	[sflag:s6] =	ssyncset.done $0x0  }
0x10f: {  	[sflag:s6] =	ssyncadd.s32 $0xFFFFE000  }
0x110: {  	_ =	swait.ge [sflag:s6], $0x2000  }
0x111: {  	[sflag:s6] =	ssyncset.done $0x0  }
0x112: {  	[sflag:s6] =	ssyncadd.s32 $0xFFFFE000  }
0x113: {  	_ =	swait.ge [sflag:s6], $0x2000  }
0x114: {  	[sflag:s6] =	ssyncset.done $0x0  }
0x115: {  	[sflag:s6] =	ssyncadd.s32 $0xFFFFE000  }
0x116: {  	_ =	swait.ge [sflag:s6], $0x2000  }
0x117: {  	[sflag:s6] =	ssyncset.done $0x0  }
0x118: {  	[sflag:s6] =	ssyncadd.s32 $0xFFFFE000  }
0x119: {  	_ =	swait.ge [sflag:s6], $0x2000  }
0x11a: {  	[sflag:s6] =	ssyncset.done $0x0  }
0x11b: {  	[sflag:s6] =	ssyncadd.s32 $0xFFFFE000  }
0x11c: {  	_ =	swait.ge [sflag:s6], $0x2000  }
0x11d: {  	[sflag:s6] =	ssyncset.done $0x0  }
0x11e: {  	[sflag:s6] =	ssyncadd.s32 $0xFFFFE000  }
0x11f: {  	_ =	sfence.sel $0x180000  }
0x120: {  	[bflag:$0x0] =	sbarrier.arrive $0xFFFF  }
0x121: {  	p0 =	sne.s32 s19, $0x0;
	_ =	strace $0x90000047  }
0x122: {  	s0 =	sadd.s32 @!p0 $0x100000, s29;
	[bflag:$0x2] =	sbarrier.arrive $0xFFFF  }
0x123: {  	[sflag:s0] =	ssyncadd.tile.s32 @!p0 $0x1;
	_ =	shalt  }
.LBB2_2:
.Ltmp3:
0x124: {  	(pc) =	sbr.rel .LBB2_5-.Ltmp3, $4  }
0x125: {  	_ = 	snop  }
0x126: {  	s19 =	stileid.u32;
	s29 =	rddreg [dreg:$0x4]  }
0x127: {  	s20 =	simm.s32 $0x80;
	s21 =	simm.s32 $0xC0;
	s22 =	simm.s32 $0x100  }
0x128: {  	s23 =	simm.s32 $0x140;
	s25 =	simm.s32 $0x180;
	s30 =	simm.s32 $0x1C0  }
.Lfunc_end2:
_tile_overlayer_lowered:
.L_overlay_start_2:
0x129: {  	(tag) =	ssettag $0x2  }
0x12a: {  	s0 =	rddreg [dreg:$0x0];
	s2 =	stileid.u32  }
0x12b: {  	s1 =	rddreg [dreg:$0x1];
	p0 =	sne.s32 s2, $0x0  }
0x12c: {  	s3 =	rddreg [dreg:$0x2];
	[bflag:$0x3] =	sbarrier.arrive $0xFFFF;
	s2 =	simm.s32 @!p0 $0x1C04  }
0x12d: {  	[timem:s3], [sflag:s2] =	dma.local @!p0 [hbm:s0], s1  }
0x12e: {  	s0 =	simm.s32 @!p0 $0x4  }
0x12f: {  	_ =	swait.ge @!p0 [sflag:s0], s1  }
0x130: {  	s1 =	ssub.s32 @!p0 $0x0, s1;
	[sflag:s0] =	ssyncset.done @!p0 $0x0  }
0x131: {  	[sflag:s0] =	ssyncadd.s32 @!p0 s1  }
0x132: {  	[bflag:$0x3] =	sbarrier.arrive $0xFFFF  }
0x133: {  	_ =	shalt  }

</sc_bundles>
